<compile_context>
chip_gen: v7x
topology: tpu7x:2x2x1
jax: 0.10.2.dev20260603
libtpu: 0.0.44.dev20260713+nightly
codegen_flags: <defaults>
</compile_context>

<pallas_src>
import functools

import jax
import jax.numpy as jnp
from jax import lax
from jax.experimental import pallas as pl
from jax.experimental.pallas import tpu as pltpu
from jax.experimental.pallas import tpu_sc as plsc

NC, NS, L = 2, 16, 16
NW = NC * NS
E = 320000
EPW = E // NW
CH = 128
NFULL = EPW // CH
TAIL = EPW - NFULL * CH
NCH = NFULL + 1
IPAD = NCH * CH
D = 128
DW = D // 2
H = 10000


def _dot_body(hb, eidx, out, hs, idx_s, idx_d, rows_s, rows_d, out_v, sems):
  sid = lax.axis_index("s")
  wid = sid * NC + lax.axis_index("c")
  base = wid * EPW

  rp = H // NS
  pltpu.async_copy(hb.at[pl.ds(sid * rp, rp)], hs.at[pl.ds(sid * rp, rp)],
                   sems.at[4])
  pltpu.async_copy(eidx.at[0, pl.ds(base, EPW)], idx_s.at[pl.ds(0, EPW)],
                   sems.at[5])
  pltpu.async_copy(eidx.at[1, pl.ds(base, EPW)], idx_d.at[pl.ds(0, EPW)],
                   sems.at[5])
  zeros = jnp.zeros((L,), jnp.int32)
  for i in range((IPAD - EPW) // L):
    idx_s[pl.ds(EPW + i * L, L)] = zeros
    idx_d[pl.ds(EPW + i * L, L)] = zeros
  pltpu.make_async_copy(
      eidx.at[0, pl.ds(base, EPW)], idx_s.at[pl.ds(0, EPW)], sems.at[5]).wait()
  pltpu.make_async_copy(
      eidx.at[1, pl.ds(base, EPW)], idx_d.at[pl.ds(0, EPW)], sems.at[5]).wait()
  pltpu.make_async_copy(
      hb.at[pl.ds(sid * rp, rp)], hs.at[pl.ds(sid * rp, rp)], sems.at[4]).wait()
  plsc.subcore_barrier()

  def fire(g, b):
    isl = idx_s.at[pl.ds(g * CH, CH)]
    idl = idx_d.at[pl.ds(g * CH, CH)]
    pltpu.async_copy(hs.at[isl], rows_s.at[b], sems.at[2 * b])
    pltpu.async_copy(hs.at[idl], rows_d.at[b], sems.at[2 * b + 1])

  def drain(g, b):
    isl = idx_s.at[pl.ds(g * CH, CH)]
    idl = idx_d.at[pl.ds(g * CH, CH)]
    pltpu.make_async_copy(hs.at[isl], rows_s.at[b], sems.at[2 * b]).wait()
    pltpu.make_async_copy(hs.at[idl], rows_d.at[b], sems.at[2 * b + 1]).wait()

  lane = lax.iota(jnp.int32, L)
  last = lane == (L - 1)

  def compute(g, b, n):
    rs = rows_s.at[b]
    rd = rows_d.at[b]

    @plsc.parallel_loop(0, n, step=1, unroll=1)
    def edge(e):
      p = None
      for j in range(DW // L):
        a = plsc.bitcast(rs[e, pl.ds(j * L, L)], jnp.bfloat16)
        bb = plsc.bitcast(rd[e, pl.ds(j * L, L)], jnp.bfloat16)
        t = a * bb
        p = t if p is None else p + t
      lo, hi = plsc.unpack(p, format=plsc.PackFormat.INTERLEAVED)
      tot = plsc.cumsum(lo + hi)
      plsc.store_compressed(out_v.at[pl.ds(g * CH + e, L)], tot, mask=last)

  fire(0, 0)
  fire(1, 1)

  def step(gg, carry):
    for b in range(3):
      g = 3 * gg + b

      @pl.when(g + 2 < NCH)
      def _():
        fire(g + 2, (b + 2) % 3)

      drain(g, b)
      compute(g, b, CH)
    return carry

  lax.fori_loop(0, NFULL // 3, step, 0)
  drain(NFULL, NFULL % 3)
  compute(NFULL, NFULL % 3, TAIL)

  pltpu.sync_copy(out_v.at[pl.ds(0, EPW)], out.at[pl.ds(base, EPW)])


_dot_sc = functools.partial(
    pl.kernel,
    out_type=jax.ShapeDtypeStruct((E,), jnp.float32),
    mesh=plsc.VectorSubcoreMesh(
        core_axis_name="c", subcore_axis_name="s",
        num_cores=NC, num_subcores=NS),
    compiler_params=pltpu.CompilerParams(
        needs_layout_passes=False, use_tc_tiling_on_sc=False),
    scratch_types=[
        pltpu.VMEM_SHARED((H, DW), jnp.int32),
        pltpu.VMEM((IPAD,), jnp.int32),
        pltpu.VMEM((IPAD,), jnp.int32),
        pltpu.VMEM((3, CH, DW), jnp.int32),
        pltpu.VMEM((3, CH, DW), jnp.int32),
        pltpu.VMEM((EPW + L,), jnp.float32),
        pltpu.SemaphoreType.DMA((6,)),
    ],
)(_dot_body)


@jax.jit
def kernel(h, edge_index):
  lo = lax.bitcast_convert_type(h[:, :DW].astype(jnp.bfloat16), jnp.uint16)
  hi = lax.bitcast_convert_type(h[:, DW:].astype(jnp.bfloat16), jnp.uint16)
  hb = lax.bitcast_convert_type(
      lo.astype(jnp.uint32) | (hi.astype(jnp.uint32) << 16), jnp.int32)
  return _dot_sc(hb, edge_index)

# --- scband reference (transcript-rebuilt; emitter-appended) ---
"""Pipeline reference for scband-dot-predictor-54443005444677 (READ-ONLY COPY).

The authoritative reference and input builder live on the scoring server;
editing this copy changes nothing except your own understanding.
"""

import jax, jax.numpy as jnp
import numpy as np


def setup_inputs(seed: int = 0) -> dict:
    key = jax.random.key(seed)
    k1, k2 = jax.random.split(key)
    h = jax.random.normal(k1, (10000, 128), dtype=jnp.float32)
    edge_index = jax.random.randint(k2, (2, 320000), 0, 10000, dtype=jnp.int32)
    return {"h": h, "edge_index": edge_index}


def reference(h, edge_index):
    # DGL u_dot_v: for each edge (u, v), score = dot(h[u], h[v])
    src = edge_index[0]
    dst = edge_index[1]
    hu = jnp.take(h, src, axis=0)   # [E, d] gather
    hv = jnp.take(h, dst, axis=0)   # [E, d] gather
    score = jnp.sum(hu * hv, axis=-1)  # [E]
    return score

if __name__ == "__main__":
    import jax
    _d = setup_inputs()
    print(jax.jit(kernel)(*tuple(_d.values())))

</pallas_src>

<mosaic_0001>
#map = affine_map<(d0, d1) -> (0, 0)>
#map1 = affine_map<(d0, d1) -> (0)>
module attributes {stable_mosaic.version = 14 : i64} {
  func.func @_dot_body(%arg0: i32, %arg1: i32, %arg2: memref<10000x64xi32, #tpu.memory_space<hbm>>, %arg3: memref<2x320000xi32, #tpu.memory_space<hbm>>, %arg4: memref<320000xf32, #tpu.memory_space<hbm>>, %arg5: memref<10000x64xi32, #tpu.memory_space<vmem_shared>>, %arg6: memref<10112xi32, #tpu.memory_space<vmem>>, %arg7: memref<10112xi32, #tpu.memory_space<vmem>>, %arg8: memref<3x128x64xi32, #tpu.memory_space<vmem>>, %arg9: memref<3x128x64xi32, #tpu.memory_space<vmem>>, %arg10: memref<10016xf32, #tpu.memory_space<vmem>>, %arg11: memref<6x!tpu.dma_semaphore, #tpu.memory_space<semaphore_mem>>) attributes {dimension_semantics = [#tpu.dimension_semantics<core_parallel>, #tpu.dimension_semantics<subcore_parallel>], iteration_bounds = array<i64: 2, 16>, scalar_prefetch = 0 : i64, scratch_operands = 7 : i64, tpu.core_type = #tpu.core_type<sc_vector_subcore>, window_params = [{transform_indices = #map}, {transform_indices = #map}, {transform_indices = #map1}]} {
    %mul3A = arith.constant 2 : i32
    %mul3A_0 = arith.muli %arg1, %mul3A : i32
    %add3A = arith.addi %mul3A_0, %arg0 : i32
    %mul3A_1 = arith.constant 10000 : i32
    %mul3A_2 = arith.muli %add3A, %mul3A_1 : i32
    %mul3A_3 = arith.constant 625 : i32
    %mul3A_4 = arith.muli %arg1, %mul3A_3 : i32
    %mul3A_5 = arith.constant 625 : i32
    %mul3A_6 = arith.muli %arg1, %mul3A_5 : i32
    %dma_start3A = arith.constant 4 : i32
    %dma_start3A_7 = tpu.memref_slice %arg11[%dma_start3A] : memref<6x!tpu.dma_semaphore, #tpu.memory_space<semaphore_mem>> -> memref<1x!tpu.dma_semaphore, #tpu.memory_space<semaphore_mem>>
    %dma_start3A_8 = tpu.memref_squeeze %dma_start3A_7 : memref<1x!tpu.dma_semaphore, #tpu.memory_space<semaphore_mem>> -> memref<!tpu.dma_semaphore, #tpu.memory_space<semaphore_mem>>
    %dma_start3A_9 = arith.constant 0 : i32
    %dma_start3A_10 = tpu.memref_slice %arg5[%mul3A_6, %dma_start3A_9] : memref<10000x64xi32, #tpu.memory_space<vmem_shared>> -> memref<625x64xi32, #tpu.memory_space<vmem_shared>>
    %dma_start3A_11 = arith.constant 0 : i32
    %dma_start3A_12 = tpu.memref_slice %arg2[%mul3A_4, %dma_start3A_11] : memref<10000x64xi32, #tpu.memory_space<hbm>> -> memref<625x64xi32, #tpu.memory_space<hbm>>
    tpu.enqueue_dma source(%dma_start3A_12 : memref<625x64xi32, #tpu.memory_space<hbm>>) target(%dma_start3A_10 : memref<625x64xi32, #tpu.memory_space<vmem_shared>>) target_semaphore(%dma_start3A_8 : memref<!tpu.dma_semaphore, #tpu.memory_space<semaphore_mem>>)
    %dma_start3A_13 = arith.constant 0 : i32
    %dma_start3A_14 = arith.constant 5 : i32
    %dma_start3A_15 = arith.constant 0 : i32
    %dma_start3A_16 = tpu.memref_slice %arg6[%dma_start3A_15] : memref<10112xi32, #tpu.memory_space<vmem>> -> memref<10000xi32, #tpu.memory_space<vmem>>
    %dma_start3A_17 = tpu.memref_slice %arg3[%dma_start3A_13, %mul3A_2] : memref<2x320000xi32, #tpu.memory_space<hbm>> -> memref<1x10000xi32, #tpu.memory_space<hbm>>
    %dma_start3A_18 = tpu.memref_squeeze %dma_start3A_17 : memref<1x10000xi32, #tpu.memory_space<hbm>> -> memref<10000xi32, #tpu.memory_space<hbm>>
    %dma_start3A_19 = tpu.memref_slice %arg11[%dma_start3A_14] : memref<6x!tpu.dma_semaphore, #tpu.memory_space<semaphore_mem>> -> memref<1x!tpu.dma_semaphore, #tpu.memory_space<semaphore_mem>>
    %dma_start3A_20 = tpu.memref_squeeze %dma_start3A_19 : memref<1x!tpu.dma_semaphore, #tpu.memory_space<semaphore_mem>> -> memref<!tpu.dma_semaphore, #tpu.memory_space<semaphore_mem>>
    %dma_start3A_21 = arith.constant 0 : i32
    %dma_start3A_22 = tpu.memref_slice %arg6[%dma_start3A_21] : memref<10112xi32, #tpu.memory_space<vmem>> -> memref<10000xi32, #tpu.memory_space<vmem>>
    %dma_start3A_23 = tpu.memref_slice %arg3[%dma_start3A_13, %mul3A_2] : memref<2x320000xi32, #tpu.memory_space<hbm>> -> memref<1x10000xi32, #tpu.memory_space<hbm>>
    %dma_start3A_24 = tpu.memref_squeeze %dma_start3A_23 : memref<1x10000xi32, #tpu.memory_space<hbm>> -> memref<10000xi32, #tpu.memory_space<hbm>>
    tpu.enqueue_dma source(%dma_start3A_24 : memref<10000xi32, #tpu.memory_space<hbm>>) target(%dma_start3A_22 : memref<10000xi32, #tpu.memory_space<vmem>>) target_semaphore(%dma_start3A_20 : memref<!tpu.dma_semaphore, #tpu.memory_space<semaphore_mem>>)
    %dma_start3A_25 = arith.constant 1 : i32
    %dma_start3A_26 = arith.constant 5 : i32
    %dma_start3A_27 = arith.constant 0 : i32
    %dma_start3A_28 = tpu.memref_slice %arg7[%dma_start3A_27] : memref<10112xi32, #tpu.memory_space<vmem>> -> memref<10000xi32, #tpu.memory_space<vmem>>
    %dma_start3A_29 = tpu.memref_slice %arg3[%dma_start3A_25, %mul3A_2] : memref<2x320000xi32, #tpu.memory_space<hbm>> -> memref<1x10000xi32, #tpu.memory_space<hbm>>
    %dma_start3A_30 = tpu.memref_squeeze %dma_start3A_29 : memref<1x10000xi32, #tpu.memory_space<hbm>> -> memref<10000xi32, #tpu.memory_space<hbm>>
    %dma_start3A_31 = tpu.memref_slice %arg11[%dma_start3A_26] : memref<6x!tpu.dma_semaphore, #tpu.memory_space<semaphore_mem>> -> memref<1x!tpu.dma_semaphore, #tpu.memory_space<semaphore_mem>>
    %dma_start3A_32 = tpu.memref_squeeze %dma_start3A_31 : memref<1x!tpu.dma_semaphore, #tpu.memory_space<semaphore_mem>> -> memref<!tpu.dma_semaphore, #tpu.memory_space<semaphore_mem>>
    %dma_start3A_33 = arith.constant 0 : i32
    %dma_start3A_34 = tpu.memref_slice %arg7[%dma_start3A_33] : memref<10112xi32, #tpu.memory_space<vmem>> -> memref<10000xi32, #tpu.memory_space<vmem>>
    %dma_start3A_35 = tpu.memref_slice %arg3[%dma_start3A_25, %mul3A_2] : memref<2x320000xi32, #tpu.memory_space<hbm>> -> memref<1x10000xi32, #tpu.memory_space<hbm>>
    %dma_start3A_36 = tpu.memref_squeeze %dma_start3A_35 : memref<1x10000xi32, #tpu.memory_space<hbm>> -> memref<10000xi32, #tpu.memory_space<hbm>>
    tpu.enqueue_dma source(%dma_start3A_36 : memref<10000xi32, #tpu.memory_space<hbm>>) target(%dma_start3A_34 : memref<10000xi32, #tpu.memory_space<vmem>>) target_semaphore(%dma_start3A_32 : memref<!tpu.dma_semaphore, #tpu.memory_space<semaphore_mem>>)
    %broadcast_in_dim3A = arith.constant 0 : i32
    %broadcast_in_dim3A_37 = vector.broadcast %broadcast_in_dim3A : i32 to vector<16xi32>
    %swap3A = arith.constant 10000 : index
    %swap3A_38 = tpu.vector_load %arg6[%swap3A] {strides = array<i32>} : memref<10112xi32, #tpu.memory_space<vmem>>, vector<16xi32>,
    tpu.vector_store %arg6[%swap3A], %broadcast_in_dim3A_37 {strides = array<i32>} : memref<10112xi32, #tpu.memory_space<vmem>>, vector<16xi32>,
    %swap3A_39 = arith.constant 10000 : index
    %swap3A_40 = tpu.vector_load %arg7[%swap3A_39] {strides = array<i32>} : memref<10112xi32, #tpu.memory_space<vmem>>, vector<16xi32>,
    tpu.vector_store %arg7[%swap3A_39], %broadcast_in_dim3A_37 {strides = array<i32>} : memref<10112xi32, #tpu.memory_space<vmem>>, vector<16xi32>,
    %swap3A_41 = arith.constant 10016 : index
    %swap3A_42 = tpu.vector_load %arg6[%swap3A_41] {strides = array<i32>} : memref<10112xi32, #tpu.memory_space<vmem>>, vector<16xi32>,
    tpu.vector_store %arg6[%swap3A_41], %broadcast_in_dim3A_37 {strides = array<i32>} : memref<10112xi32, #tpu.memory_space<vmem>>, vector<16xi32>,
    %swap3A_43 = arith.constant 10016 : index
    %swap3A_44 = tpu.vector_load %arg7[%swap3A_43] {strides = array<i32>} : memref<10112xi32, #tpu.memory_space<vmem>>, vector<16xi32>,
    tpu.vector_store %arg7[%swap3A_43], %broadcast_in_dim3A_37 {strides = array<i32>} : memref<10112xi32, #tpu.memory_space<vmem>>, vector<16xi32>,
    %swap3A_45 = arith.constant 10032 : index
    %swap3A_46 = tpu.vector_load %arg6[%swap3A_45] {strides = array<i32>} : memref<10112xi32, #tpu.memory_space<vmem>>, vector<16xi32>,
    tpu.vector_store %arg6[%swap3A_45], %broadcast_in_dim3A_37 {strides = array<i32>} : memref<10112xi32, #tpu.memory_space<vmem>>, vector<16xi32>,
    %swap3A_47 = arith.constant 10032 : index
    %swap3A_48 = tpu.vector_load %arg7[%swap3A_47] {strides = array<i32>} : memref<10112xi32, #tpu.memory_space<vmem>>, vector<16xi32>,
    tpu.vector_store %arg7[%swap3A_47], %broadcast_in_dim3A_37 {strides = array<i32>} : memref<10112xi32, #tpu.memory_space<vmem>>, vector<16xi32>,
    %swap3A_49 = arith.constant 10048 : index
    %swap3A_50 = tpu.vector_load %arg6[%swap3A_49] {strides = array<i32>} : memref<10112xi32, #tpu.memory_space<vmem>>, vector<16xi32>,
    tpu.vector_store %arg6[%swap3A_49], %broadcast_in_dim3A_37 {strides = array<i32>} : memref<10112xi32, #tpu.memory_space<vmem>>, vector<16xi32>,
    %swap3A_51 = arith.constant 10048 : index
    %swap3A_52 = tpu.vector_load %arg7[%swap3A_51] {strides = array<i32>} : memref<10112xi32, #tpu.memory_space<vmem>>, vector<16xi32>,
    tpu.vector_store %arg7[%swap3A_51], %broadcast_in_dim3A_37 {strides = array<i32>} : memref<10112xi32, #tpu.memory_space<vmem>>, vector<16xi32>,
    %swap3A_53 = arith.constant 10064 : index
    %swap3A_54 = tpu.vector_load %arg6[%swap3A_53] {strides = array<i32>} : memref<10112xi32, #tpu.memory_space<vmem>>, vector<16xi32>,
    tpu.vector_store %arg6[%swap3A_53], %broadcast_in_dim3A_37 {strides = array<i32>} : memref<10112xi32, #tpu.memory_space<vmem>>, vector<16xi32>,
    %swap3A_55 = arith.constant 10064 : index
    %swap3A_56 = tpu.vector_load %arg7[%swap3A_55] {strides = array<i32>} : memref<10112xi32, #tpu.memory_space<vmem>>, vector<16xi32>,
    tpu.vector_store %arg7[%swap3A_55], %broadcast_in_dim3A_37 {strides = array<i32>} : memref<10112xi32, #tpu.memory_space<vmem>>, vector<16xi32>,
    %swap3A_57 = arith.constant 10080 : index
    %swap3A_58 = tpu.vector_load %arg6[%swap3A_57] {strides = array<i32>} : memref<10112xi32, #tpu.memory_space<vmem>>, vector<16xi32>,
    tpu.vector_store %arg6[%swap3A_57], %broadcast_in_dim3A_37 {strides = array<i32>} : memref<10112xi32, #tpu.memory_space<vmem>>, vector<16xi32>,
    %swap3A_59 = arith.constant 10080 : index
    %swap3A_60 = tpu.vector_load %arg7[%swap3A_59] {strides = array<i32>} : memref<10112xi32, #tpu.memory_space<vmem>>, vector<16xi32>,
    tpu.vector_store %arg7[%swap3A_59], %broadcast_in_dim3A_37 {strides = array<i32>} : memref<10112xi32, #tpu.memory_space<vmem>>, vector<16xi32>,
    %swap3A_61 = arith.constant 10096 : index
    %swap3A_62 = tpu.vector_load %arg6[%swap3A_61] {strides = array<i32>} : memref<10112xi32, #tpu.memory_space<vmem>>, vector<16xi32>,
    tpu.vector_store %arg6[%swap3A_61], %broadcast_in_dim3A_37 {strides = array<i32>} : memref<10112xi32, #tpu.memory_space<vmem>>, vector<16xi32>,
    %swap3A_63 = arith.constant 10096 : index
    %swap3A_64 = tpu.vector_load %arg7[%swap3A_63] {strides = array<i32>} : memref<10112xi32, #tpu.memory_space<vmem>>, vector<16xi32>,
    tpu.vector_store %arg7[%swap3A_63], %broadcast_in_dim3A_37 {strides = array<i32>} : memref<10112xi32, #tpu.memory_space<vmem>>, vector<16xi32>,
    %dma_wait3A = arith.constant 0 : i32
    %dma_wait3A_65 = arith.constant 5 : i32
    %dma_wait3A_66 = arith.constant 0 : i32
    %dma_wait3A_67 = tpu.memref_slice %arg6[%dma_wait3A_66] : memref<10112xi32, #tpu.memory_space<vmem>> -> memref<10000xi32, #tpu.memory_space<vmem>>
    %dma_wait3A_68 = tpu.memref_slice %arg3[%dma_wait3A, %mul3A_2] : memref<2x320000xi32, #tpu.memory_space<hbm>> -> memref<1x10000xi32, #tpu.memory_space<hbm>>
    %dma_wait3A_69 = tpu.memref_squeeze %dma_wait3A_68 : memref<1x10000xi32, #tpu.memory_space<hbm>> -> memref<10000xi32, #tpu.memory_space<hbm>>
    %dma_wait3A_70 = tpu.memref_slice %arg11[%dma_wait3A_65] : memref<6x!tpu.dma_semaphore, #tpu.memory_space<semaphore_mem>> -> memref<1x!tpu.dma_semaphore, #tpu.memory_space<semaphore_mem>>
    %dma_wait3A_71 = tpu.memref_squeeze %dma_wait3A_70 : memref<1x!tpu.dma_semaphore, #tpu.memory_space<semaphore_mem>> -> memref<!tpu.dma_semaphore, #tpu.memory_space<semaphore_mem>>
    %dma_wait3A_72 = arith.constant 0 : i32
    %dma_wait3A_73 = tpu.memref_slice %arg6[%dma_wait3A_72] : memref<10112xi32, #tpu.memory_space<vmem>> -> memref<10000xi32, #tpu.memory_space<vmem>>
    %dma_wait3A_74 = tpu.memref_slice %arg3[%dma_wait3A, %mul3A_2] : memref<2x320000xi32, #tpu.memory_space<hbm>> -> memref<1x10000xi32, #tpu.memory_space<hbm>>
    %dma_wait3A_75 = tpu.memref_squeeze %dma_wait3A_74 : memref<1x10000xi32, #tpu.memory_space<hbm>> -> memref<10000xi32, #tpu.memory_space<hbm>>
    tpu.wait_dma2 semaphore(%dma_wait3A_71 : memref<!tpu.dma_semaphore, #tpu.memory_space<semaphore_mem>>) src(%dma_wait3A_75 : memref<10000xi32, #tpu.memory_space<hbm>>) dst(%dma_wait3A_73 : memref<10000xi32, #tpu.memory_space<vmem>>)
    %dma_wait3A_76 = arith.constant 1 : i32
    %dma_wait3A_77 = arith.constant 5 : i32
    %dma_wait3A_78 = arith.constant 0 : i32
    %dma_wait3A_79 = tpu.memref_slice %arg7[%dma_wait3A_78] : memref<10112xi32, #tpu.memory_space<vmem>> -> memref<10000xi32, #tpu.memory_space<vmem>>
    %dma_wait3A_80 = tpu.memref_slice %arg3[%dma_wait3A_76, %mul3A_2] : memref<2x320000xi32, #tpu.memory_space<hbm>> -> memref<1x10000xi32, #tpu.memory_space<hbm>>
    %dma_wait3A_81 = tpu.memref_squeeze %dma_wait3A_80 : memref<1x10000xi32, #tpu.memory_space<hbm>> -> memref<10000xi32, #tpu.memory_space<hbm>>
    %dma_wait3A_82 = tpu.memref_slice %arg11[%dma_wait3A_77] : memref<6x!tpu.dma_semaphore, #tpu.memory_space<semaphore_mem>> -> memref<1x!tpu.dma_semaphore, #tpu.memory_space<semaphore_mem>>
    %dma_wait3A_83 = tpu.memref_squeeze %dma_wait3A_82 : memref<1x!tpu.dma_semaphore, #tpu.memory_space<semaphore_mem>> -> memref<!tpu.dma_semaphore, #tpu.memory_space<semaphore_mem>>
    %dma_wait3A_84 = arith.constant 0 : i32
    %dma_wait3A_85 = tpu.memref_slice %arg7[%dma_wait3A_84] : memref<10112xi32, #tpu.memory_space<vmem>> -> memref<10000xi32, #tpu.memory_space<vmem>>
    %dma_wait3A_86 = tpu.memref_slice %arg3[%dma_wait3A_76, %mul3A_2] : memref<2x320000xi32, #tpu.memory_space<hbm>> -> memref<1x10000xi32, #tpu.memory_space<hbm>>
    %dma_wait3A_87 = tpu.memref_squeeze %dma_wait3A_86 : memref<1x10000xi32, #tpu.memory_space<hbm>> -> memref<10000xi32, #tpu.memory_space<hbm>>
    tpu.wait_dma2 semaphore(%dma_wait3A_83 : memref<!tpu.dma_semaphore, #tpu.memory_space<semaphore_mem>>) src(%dma_wait3A_87 : memref<10000xi32, #tpu.memory_space<hbm>>) dst(%dma_wait3A_85 : memref<10000xi32, #tpu.memory_space<vmem>>)
    %mul3A_88 = arith.constant 625 : i32
    %mul3A_89 = arith.muli %arg1, %mul3A_88 : i32
    %mul3A_90 = arith.constant 625 : i32
    %mul3A_91 = arith.muli %arg1, %mul3A_90 : i32
    %dma_wait3A_92 = arith.constant 4 : i32
    %dma_wait3A_93 = tpu.memref_slice %arg11[%dma_wait3A_92] : memref<6x!tpu.dma_semaphore, #tpu.memory_space<semaphore_mem>> -> memref<1x!tpu.dma_semaphore, #tpu.memory_space<semaphore_mem>>
    %dma_wait3A_94 = tpu.memref_squeeze %dma_wait3A_93 : memref<1x!tpu.dma_semaphore, #tpu.memory_space<semaphore_mem>> -> memref<!tpu.dma_semaphore, #tpu.memory_space<semaphore_mem>>
    %dma_wait3A_95 = arith.constant 0 : i32
    %dma_wait3A_96 = tpu.memref_slice %arg5[%mul3A_91, %dma_wait3A_95] : memref<10000x64xi32, #tpu.memory_space<vmem_shared>> -> memref<625x64xi32, #tpu.memory_space<vmem_shared>>
    %dma_wait3A_97 = arith.constant 0 : i32
    %dma_wait3A_98 = tpu.memref_slice %arg2[%mul3A_89, %dma_wait3A_97] : memref<10000x64xi32, #tpu.memory_space<hbm>> -> memref<625x64xi32, #tpu.memory_space<hbm>>
    tpu.wait_dma2 semaphore(%dma_wait3A_94 : memref<!tpu.dma_semaphore, #tpu.memory_space<semaphore_mem>>) src(%dma_wait3A_98 : memref<625x64xi32, #tpu.memory_space<hbm>>) dst(%dma_wait3A_96 : memref<625x64xi32, #tpu.memory_space<vmem_shared>>)
    %barrier3A = arith.constant 0 : index
    tpu.barrier barrier_id(%barrier3A)
    %iota3A = tpu.iota {dimensions = array<i32: 0>} : vector<16xi32>
    %eq3A = arith.constant 15 : i32
    %eq3A_99 = vector.broadcast %eq3A : i32 to vector<16xi32>
    %eq3A_100 = arith.cmpi eq, %iota3A, %eq3A_99 : vector<16xi32>
    %dma_start3A_101 = arith.constant 0 : i32
    %dma_start3A_102 = arith.constant 0 : i32
    %dma_start3A_103 = arith.constant 0 : i32
    %dma_start3A_104 = arith.constant 0 : i32
    %dma_start3A_105 = tpu.memref_slice %arg8[%dma_start3A_101, %dma_start3A_103, %dma_start3A_104] : memref<3x128x64xi32, #tpu.memory_space<vmem>> -> memref<1x128x64xi32, #tpu.memory_space<vmem>>
    %dma_start3A_106 = tpu.memref_squeeze %dma_start3A_105 : memref<1x128x64xi32, #tpu.memory_space<vmem>> -> memref<128x64xi32, #tpu.memory_space<vmem>>
    %dma_start3A_107 = arith.constant 0 : i32
    %dma_start3A_108 = tpu.memref_slice %arg6[%dma_start3A_107] : memref<10112xi32, #tpu.memory_space<vmem>> -> memref<128xi32, #tpu.memory_space<vmem>>
    %dma_start3A_109 = arith.constant 0 : i32
    %dma_start3A_110 = arith.constant 0 : i32
    %dma_start3A_111 = tpu.memref_slice %arg5[%dma_start3A_109, %dma_start3A_110] : memref<10000x64xi32, #tpu.memory_space<vmem_shared>> -> memref<10000x64xi32, #tpu.memory_space<vmem_shared>>
    %dma_start3A_112 = tpu.memref_slice %arg11[%dma_start3A_102] : memref<6x!tpu.dma_semaphore, #tpu.memory_space<semaphore_mem>> -> memref<1x!tpu.dma_semaphore, #tpu.memory_space<semaphore_mem>>
    %dma_start3A_113 = tpu.memref_squeeze %dma_start3A_112 : memref<1x!tpu.dma_semaphore, #tpu.memory_space<semaphore_mem>> -> memref<!tpu.dma_semaphore, #tpu.memory_space<semaphore_mem>>
    tpu.enqueue_indirect_dma source(%dma_start3A_111 : memref<10000x64xi32, #tpu.memory_space<vmem_shared>>) target(%dma_start3A_106 : memref<128x64xi32, #tpu.memory_space<vmem>>) offsets(%dma_start3A_108 : memref<128xi32, #tpu.memory_space<vmem>>) semaphore(%dma_start3A_113 : memref<!tpu.dma_semaphore, #tpu.memory_space<semaphore_mem>>)
    %dma_start3A_114 = arith.constant 0 : i32
    %dma_start3A_115 = arith.constant 1 : i32
    %dma_start3A_116 = arith.constant 0 : i32
    %dma_start3A_117 = arith.constant 0 : i32
    %dma_start3A_118 = tpu.memref_slice %arg9[%dma_start3A_114, %dma_start3A_116, %dma_start3A_117] : memref<3x128x64xi32, #tpu.memory_space<vmem>> -> memref<1x128x64xi32, #tpu.memory_space<vmem>>
    %dma_start3A_119 = tpu.memref_squeeze %dma_start3A_118 : memref<1x128x64xi32, #tpu.memory_space<vmem>> -> memref<128x64xi32, #tpu.memory_space<vmem>>
    %dma_start3A_120 = arith.constant 0 : i32
    %dma_start3A_121 = tpu.memref_slice %arg7[%dma_start3A_120] : memref<10112xi32, #tpu.memory_space<vmem>> -> memref<128xi32, #tpu.memory_space<vmem>>
    %dma_start3A_122 = arith.constant 0 : i32
    %dma_start3A_123 = arith.constant 0 : i32
    %dma_start3A_124 = tpu.memref_slice %arg5[%dma_start3A_122, %dma_start3A_123] : memref<10000x64xi32, #tpu.memory_space<vmem_shared>> -> memref<10000x64xi32, #tpu.memory_space<vmem_shared>>
    %dma_start3A_125 = tpu.memref_slice %arg11[%dma_start3A_115] : memref<6x!tpu.dma_semaphore, #tpu.memory_space<semaphore_mem>> -> memref<1x!tpu.dma_semaphore, #tpu.memory_space<semaphore_mem>>
    %dma_start3A_126 = tpu.memref_squeeze %dma_start3A_125 : memref<1x!tpu.dma_semaphore, #tpu.memory_space<semaphore_mem>> -> memref<!tpu.dma_semaphore, #tpu.memory_space<semaphore_mem>>
    tpu.enqueue_indirect_dma source(%dma_start3A_124 : memref<10000x64xi32, #tpu.memory_space<vmem_shared>>) target(%dma_start3A_119 : memref<128x64xi32, #tpu.memory_space<vmem>>) offsets(%dma_start3A_121 : memref<128xi32, #tpu.memory_space<vmem>>) semaphore(%dma_start3A_126 : memref<!tpu.dma_semaphore, #tpu.memory_space<semaphore_mem>>)
    %dma_start3A_127 = arith.constant 1 : i32
    %dma_start3A_128 = arith.constant 2 : i32
    %dma_start3A_129 = arith.constant 0 : i32
    %dma_start3A_130 = arith.constant 0 : i32
    %dma_start3A_131 = tpu.memref_slice %arg8[%dma_start3A_127, %dma_start3A_129, %dma_start3A_130] : memref<3x128x64xi32, #tpu.memory_space<vmem>> -> memref<1x128x64xi32, #tpu.memory_space<vmem>>
    %dma_start3A_132 = tpu.memref_squeeze %dma_start3A_131 : memref<1x128x64xi32, #tpu.memory_space<vmem>> -> memref<128x64xi32, #tpu.memory_space<vmem>>
    %dma_start3A_133 = arith.constant 128 : i32
    %dma_start3A_134 = tpu.memref_slice %arg6[%dma_start3A_133] : memref<10112xi32, #tpu.memory_space<vmem>> -> memref<128xi32, #tpu.memory_space<vmem>>
    %dma_start3A_135 = arith.constant 0 : i32
    %dma_start3A_136 = arith.constant 0 : i32
    %dma_start3A_137 = tpu.memref_slice %arg5[%dma_start3A_135, %dma_start3A_136] : memref<10000x64xi32, #tpu.memory_space<vmem_shared>> -> memref<10000x64xi32, #tpu.memory_space<vmem_shared>>
    %dma_start3A_138 = tpu.memref_slice %arg11[%dma_start3A_128] : memref<6x!tpu.dma_semaphore, #tpu.memory_space<semaphore_mem>> -> memref<1x!tpu.dma_semaphore, #tpu.memory_space<semaphore_mem>>
    %dma_start3A_139 = tpu.memref_squeeze %dma_start3A_138 : memref<1x!tpu.dma_semaphore, #tpu.memory_space<semaphore_mem>> -> memref<!tpu.dma_semaphore, #tpu.memory_space<semaphore_mem>>
    tpu.enqueue_indirect_dma source(%dma_start3A_137 : memref<10000x64xi32, #tpu.memory_space<vmem_shared>>) target(%dma_start3A_132 : memref<128x64xi32, #tpu.memory_space<vmem>>) offsets(%dma_start3A_134 : memref<128xi32, #tpu.memory_space<vmem>>) semaphore(%dma_start3A_139 : memref<!tpu.dma_semaphore, #tpu.memory_space<semaphore_mem>>)
    %dma_start3A_140 = arith.constant 1 : i32
    %dma_start3A_141 = arith.constant 3 : i32
    %dma_start3A_142 = arith.constant 0 : i32
    %dma_start3A_143 = arith.constant 0 : i32
    %dma_start3A_144 = tpu.memref_slice %arg9[%dma_start3A_140, %dma_start3A_142, %dma_start3A_143] : memref<3x128x64xi32, #tpu.memory_space<vmem>> -> memref<1x128x64xi32, #tpu.memory_space<vmem>>
    %dma_start3A_145 = tpu.memref_squeeze %dma_start3A_144 : memref<1x128x64xi32, #tpu.memory_space<vmem>> -> memref<128x64xi32, #tpu.memory_space<vmem>>
    %dma_start3A_146 = arith.constant 128 : i32
    %dma_start3A_147 = tpu.memref_slice %arg7[%dma_start3A_146] : memref<10112xi32, #tpu.memory_space<vmem>> -> memref<128xi32, #tpu.memory_space<vmem>>
    %dma_start3A_148 = arith.constant 0 : i32
    %dma_start3A_149 = arith.constant 0 : i32
    %dma_start3A_150 = tpu.memref_slice %arg5[%dma_start3A_148, %dma_start3A_149] : memref<10000x64xi32, #tpu.memory_space<vmem_shared>> -> memref<10000x64xi32, #tpu.memory_space<vmem_shared>>
    %dma_start3A_151 = tpu.memref_slice %arg11[%dma_start3A_141] : memref<6x!tpu.dma_semaphore, #tpu.memory_space<semaphore_mem>> -> memref<1x!tpu.dma_semaphore, #tpu.memory_space<semaphore_mem>>
    %dma_start3A_152 = tpu.memref_squeeze %dma_start3A_151 : memref<1x!tpu.dma_semaphore, #tpu.memory_space<semaphore_mem>> -> memref<!tpu.dma_semaphore, #tpu.memory_space<semaphore_mem>>
    tpu.enqueue_indirect_dma source(%dma_start3A_150 : memref<10000x64xi32, #tpu.memory_space<vmem_shared>>) target(%dma_start3A_145 : memref<128x64xi32, #tpu.memory_space<vmem>>) offsets(%dma_start3A_147 : memref<128xi32, #tpu.memory_space<vmem>>) semaphore(%dma_start3A_152 : memref<!tpu.dma_semaphore, #tpu.memory_space<semaphore_mem>>)
    %scan3A = arith.constant 0 : i32
    %scan3A_153 = arith.constant 0 : i32
    %scan3A_154 = arith.constant 26 : i32
    %scan3A_155 = arith.addi %scan3A_153, %scan3A_154 : i32
    %scan3A_156 = arith.constant 1 : i32
    scf.for %scan3A_188 = %scan3A_153 to %scan3A_155 step %scan3A_156  : i32 {
      %mul3A_189 = arith.constant 3 : i32
      %mul3A_190 = arith.muli %mul3A_189, %scan3A_188 : i32
      %add3A_191 = arith.constant 0 : i32
      %add3A_192 = arith.addi %mul3A_190, %add3A_191 : i32
      %add3A_193 = arith.constant 2 : i32
      %add3A_194 = arith.addi %add3A_192, %add3A_193 : i32
      %lt3A = arith.constant 79 : i32
      %lt3A_195 = arith.cmpi slt, %add3A_194, %lt3A : i32
      %convert_element_type3A = arith.extui %lt3A_195 : i1 to i32
      %cond3A = arith.constant 0 : i32
      %cond3A_196 = arith.cmpi ne, %convert_element_type3A, %cond3A : i32
      scf.if %cond3A_196 {
        %add3A_318 = arith.constant 2 : i32
        %add3A_319 = arith.addi %add3A_192, %add3A_318 : i32
        %mul3A_320 = arith.constant 128 : i32
        %mul3A_321 = arith.muli %add3A_319, %mul3A_320 : i32
        %mul3A_322 = arith.constant 128 : i32
        %mul3A_323 = arith.muli %add3A_319, %mul3A_322 : i32
        %dma_start3A_324 = arith.constant 2 : i32
        %dma_start3A_325 = arith.constant 4 : i32
        %dma_start3A_326 = arith.constant 0 : i32
        %dma_start3A_327 = arith.constant 0 : i32
        %dma_start3A_328 = tpu.memref_slice %arg8[%dma_start3A_324, %dma_start3A_326, %dma_start3A_327] : memref<3x128x64xi32, #tpu.memory_space<vmem>> -> memref<1x128x64xi32, #tpu.memory_space<vmem>>
        %dma_start3A_329 = tpu.memref_squeeze %dma_start3A_328 : memref<1x128x64xi32, #tpu.memory_space<vmem>> -> memref<128x64xi32, #tpu.memory_space<vmem>>
        %dma_start3A_330 = tpu.memref_slice %arg6[%mul3A_321] : memref<10112xi32, #tpu.memory_space<vmem>> -> memref<128xi32, #tpu.memory_space<vmem>>
        %dma_start3A_331 = arith.constant 0 : i32
        %dma_start3A_332 = arith.constant 0 : i32
        %dma_start3A_333 = tpu.memref_slice %arg5[%dma_start3A_331, %dma_start3A_332] : memref<10000x64xi32, #tpu.memory_space<vmem_shared>> -> memref<10000x64xi32, #tpu.memory_space<vmem_shared>>
        %dma_start3A_334 = tpu.memref_slice %arg11[%dma_start3A_325] : memref<6x!tpu.dma_semaphore, #tpu.memory_space<semaphore_mem>> -> memref<1x!tpu.dma_semaphore, #tpu.memory_space<semaphore_mem>>
        %dma_start3A_335 = tpu.memref_squeeze %dma_start3A_334 : memref<1x!tpu.dma_semaphore, #tpu.memory_space<semaphore_mem>> -> memref<!tpu.dma_semaphore, #tpu.memory_space<semaphore_mem>>
        tpu.enqueue_indirect_dma source(%dma_start3A_333 : memref<10000x64xi32, #tpu.memory_space<vmem_shared>>) target(%dma_start3A_329 : memref<128x64xi32, #tpu.memory_space<vmem>>) offsets(%dma_start3A_330 : memref<128xi32, #tpu.memory_space<vmem>>) semaphore(%dma_start3A_335 : memref<!tpu.dma_semaphore, #tpu.memory_space<semaphore_mem>>)
        %dma_start3A_336 = arith.constant 2 : i32
        %dma_start3A_337 = arith.constant 5 : i32
        %dma_start3A_338 = arith.constant 0 : i32
        %dma_start3A_339 = arith.constant 0 : i32
        %dma_start3A_340 = tpu.memref_slice %arg9[%dma_start3A_336, %dma_start3A_338, %dma_start3A_339] : memref<3x128x64xi32, #tpu.memory_space<vmem>> -> memref<1x128x64xi32, #tpu.memory_space<vmem>>
        %dma_start3A_341 = tpu.memref_squeeze %dma_start3A_340 : memref<1x128x64xi32, #tpu.memory_space<vmem>> -> memref<128x64xi32, #tpu.memory_space<vmem>>
        %dma_start3A_342 = tpu.memref_slice %arg7[%mul3A_323] : memref<10112xi32, #tpu.memory_space<vmem>> -> memref<128xi32, #tpu.memory_space<vmem>>
        %dma_start3A_343 = arith.constant 0 : i32
        %dma_start3A_344 = arith.constant 0 : i32
        %dma_start3A_345 = tpu.memref_slice %arg5[%dma_start3A_343, %dma_start3A_344] : memref<10000x64xi32, #tpu.memory_space<vmem_shared>> -> memref<10000x64xi32, #tpu.memory_space<vmem_shared>>
        %dma_start3A_346 = tpu.memref_slice %arg11[%dma_start3A_337] : memref<6x!tpu.dma_semaphore, #tpu.memory_space<semaphore_mem>> -> memref<1x!tpu.dma_semaphore, #tpu.memory_space<semaphore_mem>>
        %dma_start3A_347 = tpu.memref_squeeze %dma_start3A_346 : memref<1x!tpu.dma_semaphore, #tpu.memory_space<semaphore_mem>> -> memref<!tpu.dma_semaphore, #tpu.memory_space<semaphore_mem>>
        tpu.enqueue_indirect_dma source(%dma_start3A_345 : memref<10000x64xi32, #tpu.memory_space<vmem_shared>>) target(%dma_start3A_341 : memref<128x64xi32, #tpu.memory_space<vmem>>) offsets(%dma_start3A_342 : memref<128xi32, #tpu.memory_space<vmem>>) semaphore(%dma_start3A_347 : memref<!tpu.dma_semaphore, #tpu.memory_space<semaphore_mem>>)
      } else {
      }
      %mul3A_197 = arith.constant 128 : i32
      %mul3A_198 = arith.muli %add3A_192, %mul3A_197 : i32
      %mul3A_199 = arith.constant 128 : i32
      %mul3A_200 = arith.muli %add3A_192, %mul3A_199 : i32
      %dma_wait3A_201 = arith.constant 0 : i32
      %dma_wait3A_202 = arith.constant 0 : i32
      %dma_wait3A_203 = arith.constant 0 : i32
      %dma_wait3A_204 = arith.constant 0 : i32
      %dma_wait3A_205 = tpu.memref_slice %arg8[%dma_wait3A_201, %dma_wait3A_203, %dma_wait3A_204] : memref<3x128x64xi32, #tpu.memory_space<vmem>> -> memref<1x128x64xi32, #tpu.memory_space<vmem>>
      %dma_wait3A_206 = tpu.memref_squeeze %dma_wait3A_205 : memref<1x128x64xi32, #tpu.memory_space<vmem>> -> memref<128x64xi32, #tpu.memory_space<vmem>>
      %dma_wait3A_207 = tpu.memref_slice %arg6[%mul3A_198] : memref<10112xi32, #tpu.memory_space<vmem>> -> memref<128xi32, #tpu.memory_space<vmem>>
      %dma_wait3A_208 = arith.constant 0 : i32
      %dma_wait3A_209 = arith.constant 0 : i32
      %dma_wait3A_210 = tpu.memref_slice %arg5[%dma_wait3A_208, %dma_wait3A_209] : memref<10000x64xi32, #tpu.memory_space<vmem_shared>> -> memref<10000x64xi32, #tpu.memory_space<vmem_shared>>
      %dma_wait3A_211 = tpu.memref_slice %arg11[%dma_wait3A_202] : memref<6x!tpu.dma_semaphore, #tpu.memory_space<semaphore_mem>> -> memref<1x!tpu.dma_semaphore, #tpu.memory_space<semaphore_mem>>
      %dma_wait3A_212 = tpu.memref_squeeze %dma_wait3A_211 : memref<1x!tpu.dma_semaphore, #tpu.memory_space<semaphore_mem>> -> memref<!tpu.dma_semaphore, #tpu.memory_space<semaphore_mem>>
      tpu.wait_indirect_dma semaphore(%dma_wait3A_212 : memref<!tpu.dma_semaphore, #tpu.memory_space<semaphore_mem>>) src(%dma_wait3A_210 : memref<10000x64xi32, #tpu.memory_space<vmem_shared>>) dst(%dma_wait3A_206 : memref<128x64xi32, #tpu.memory_space<vmem>>)
      %dma_wait3A_213 = arith.constant 0 : i32
      %dma_wait3A_214 = arith.constant 1 : i32
      %dma_wait3A_215 = arith.constant 0 : i32
      %dma_wait3A_216 = arith.constant 0 : i32
      %dma_wait3A_217 = tpu.memref_slice %arg9[%dma_wait3A_213, %dma_wait3A_215, %dma_wait3A_216] : memref<3x128x64xi32, #tpu.memory_space<vmem>> -> memref<1x128x64xi32, #tpu.memory_space<vmem>>
      %dma_wait3A_218 = tpu.memref_squeeze %dma_wait3A_217 : memref<1x128x64xi32, #tpu.memory_space<vmem>> -> memref<128x64xi32, #tpu.memory_space<vmem>>
      %dma_wait3A_219 = tpu.memref_slice %arg7[%mul3A_200] : memref<10112xi32, #tpu.memory_space<vmem>> -> memref<128xi32, #tpu.memory_space<vmem>>
      %dma_wait3A_220 = arith.constant 0 : i32
      %dma_wait3A_221 = arith.constant 0 : i32
      %dma_wait3A_222 = tpu.memref_slice %arg5[%dma_wait3A_220, %dma_wait3A_221] : memref<10000x64xi32, #tpu.memory_space<vmem_shared>> -> memref<10000x64xi32, #tpu.memory_space<vmem_shared>>
      %dma_wait3A_223 = tpu.memref_slice %arg11[%dma_wait3A_214] : memref<6x!tpu.dma_semaphore, #tpu.memory_space<semaphore_mem>> -> memref<1x!tpu.dma_semaphore, #tpu.memory_space<semaphore_mem>>
      %dma_wait3A_224 = tpu.memref_squeeze %dma_wait3A_223 : memref<1x!tpu.dma_semaphore, #tpu.memory_space<semaphore_mem>> -> memref<!tpu.dma_semaphore, #tpu.memory_space<semaphore_mem>>
      tpu.wait_indirect_dma semaphore(%dma_wait3A_224 : memref<!tpu.dma_semaphore, #tpu.memory_space<semaphore_mem>>) src(%dma_wait3A_222 : memref<10000x64xi32, #tpu.memory_space<vmem_shared>>) dst(%dma_wait3A_218 : memref<128x64xi32, #tpu.memory_space<vmem>>)
      %parallel_loop3A_225 = arith.constant 0 : i32
      %parallel_loop3A_226 = arith.constant 128 : i32
      %parallel_loop3A_227 = arith.constant 1 : i32
      %parallel_loop3A_228 = arith.constant 0 : i32
      %parallel_loop3A_229 = arith.constant 0 : i32
      scf.for %parallel_loop3A_318 = %parallel_loop3A_225 to %parallel_loop3A_226 step %parallel_loop3A_227  : i32 {
        %parallel_loop3A_319 = arith.constant 0 : i32
        %parallel_loop3A_320 = arith.constant 0 : i32
        %parallel_loop3A_321 = tpu.memref_slice %arg8[%parallel_loop3A_228, %parallel_loop3A_319, %parallel_loop3A_320] : memref<3x128x64xi32, #tpu.memory_space<vmem>> -> memref<1x128x64xi32, #tpu.memory_space<vmem>>
        %parallel_loop3A_322 = tpu.memref_squeeze %parallel_loop3A_321 : memref<1x128x64xi32, #tpu.memory_space<vmem>> -> memref<128x64xi32, #tpu.memory_space<vmem>>
        %parallel_loop3A_323 = arith.index_cast %parallel_loop3A_318 : i32 to index
        %parallel_loop3A_324 = arith.constant 0 : index
        %parallel_loop3A_325 = tpu.vector_load %parallel_loop3A_322[%parallel_loop3A_323, %parallel_loop3A_324] {strides = array<i32>} : memref<128x64xi32, #tpu.memory_space<vmem>>, vector<16xi32>,
        %parallel_loop3A_326 = vector.bitcast %parallel_loop3A_325 : vector<16xi32> to vector<32xbf16>
        %parallel_loop3A_327 = arith.constant 0 : i32
        %parallel_loop3A_328 = arith.constant 0 : i32
        %parallel_loop3A_329 = tpu.memref_slice %arg9[%parallel_loop3A_229, %parallel_loop3A_327, %parallel_loop3A_328] : memref<3x128x64xi32, #tpu.memory_space<vmem>> -> memref<1x128x64xi32, #tpu.memory_space<vmem>>
        %parallel_loop3A_330 = tpu.memref_squeeze %parallel_loop3A_329 : memref<1x128x64xi32, #tpu.memory_space<vmem>> -> memref<128x64xi32, #tpu.memory_space<vmem>>
        %parallel_loop3A_331 = arith.index_cast %parallel_loop3A_318 : i32 to index
        %parallel_loop3A_332 = arith.constant 0 : index
        %parallel_loop3A_333 = tpu.vector_load %parallel_loop3A_330[%parallel_loop3A_331, %parallel_loop3A_332] {strides = array<i32>} : memref<128x64xi32, #tpu.memory_space<vmem>>, vector<16xi32>,
        %parallel_loop3A_334 = vector.bitcast %parallel_loop3A_333 : vector<16xi32> to vector<32xbf16>
        %parallel_loop3A_335 = arith.mulf %parallel_loop3A_326, %parallel_loop3A_334 : vector<32xbf16>
        %parallel_loop3A_336 = arith.constant 0 : i32
        %parallel_loop3A_337 = arith.constant 0 : i32
        %parallel_loop3A_338 = tpu.memref_slice %arg8[%parallel_loop3A_228, %parallel_loop3A_336, %parallel_loop3A_337] : memref<3x128x64xi32, #tpu.memory_space<vmem>> -> memref<1x128x64xi32, #tpu.memory_space<vmem>>
        %parallel_loop3A_339 = tpu.memref_squeeze %parallel_loop3A_338 : memref<1x128x64xi32, #tpu.memory_space<vmem>> -> memref<128x64xi32, #tpu.memory_space<vmem>>
        %parallel_loop3A_340 = arith.index_cast %parallel_loop3A_318 : i32 to index
        %parallel_loop3A_341 = arith.constant 16 : index
        %parallel_loop3A_342 = tpu.vector_load %parallel_loop3A_339[%parallel_loop3A_340, %parallel_loop3A_341] {strides = array<i32>} : memref<128x64xi32, #tpu.memory_space<vmem>>, vector<16xi32>,
        %parallel_loop3A_343 = vector.bitcast %parallel_loop3A_342 : vector<16xi32> to vector<32xbf16>
        %parallel_loop3A_344 = arith.constant 0 : i32
        %parallel_loop3A_345 = arith.constant 0 : i32
        %parallel_loop3A_346 = tpu.memref_slice %arg9[%parallel_loop3A_229, %parallel_loop3A_344, %parallel_loop3A_345] : memref<3x128x64xi32, #tpu.memory_space<vmem>> -> memref<1x128x64xi32, #tpu.memory_space<vmem>>
        %parallel_loop3A_347 = tpu.memref_squeeze %parallel_loop3A_346 : memref<1x128x64xi32, #tpu.memory_space<vmem>> -> memref<128x64xi32, #tpu.memory_space<vmem>>
        %parallel_loop3A_348 = arith.index_cast %parallel_loop3A_318 : i32 to index
        %parallel_loop3A_349 = arith.constant 16 : index
        %parallel_loop3A_350 = tpu.vector_load %parallel_loop3A_347[%parallel_loop3A_348, %parallel_loop3A_349] {strides = array<i32>} : memref<128x64xi32, #tpu.memory_space<vmem>>, vector<16xi32>,
        %parallel_loop3A_351 = vector.bitcast %parallel_loop3A_350 : vector<16xi32> to vector<32xbf16>
        %parallel_loop3A_352 = arith.mulf %parallel_loop3A_343, %parallel_loop3A_351 : vector<32xbf16>
        %parallel_loop3A_353 = arith.addf %parallel_loop3A_335, %parallel_loop3A_352 : vector<32xbf16>
        %parallel_loop3A_354 = arith.constant 0 : i32
        %parallel_loop3A_355 = arith.constant 0 : i32
        %parallel_loop3A_356 = tpu.memref_slice %arg8[%parallel_loop3A_228, %parallel_loop3A_354, %parallel_loop3A_355] : memref<3x128x64xi32, #tpu.memory_space<vmem>> -> memref<1x128x64xi32, #tpu.memory_space<vmem>>
        %parallel_loop3A_357 = tpu.memref_squeeze %parallel_loop3A_356 : memref<1x128x64xi32, #tpu.memory_space<vmem>> -> memref<128x64xi32, #tpu.memory_space<vmem>>
        %parallel_loop3A_358 = arith.index_cast %parallel_loop3A_318 : i32 to index
        %parallel_loop3A_359 = arith.constant 32 : index
        %parallel_loop3A_360 = tpu.vector_load %parallel_loop3A_357[%parallel_loop3A_358, %parallel_loop3A_359] {strides = array<i32>} : memref<128x64xi32, #tpu.memory_space<vmem>>, vector<16xi32>,
        %parallel_loop3A_361 = vector.bitcast %parallel_loop3A_360 : vector<16xi32> to vector<32xbf16>
        %parallel_loop3A_362 = arith.constant 0 : i32
        %parallel_loop3A_363 = arith.constant 0 : i32
        %parallel_loop3A_364 = tpu.memref_slice %arg9[%parallel_loop3A_229, %parallel_loop3A_362, %parallel_loop3A_363] : memref<3x128x64xi32, #tpu.memory_space<vmem>> -> memref<1x128x64xi32, #tpu.memory_space<vmem>>
        %parallel_loop3A_365 = tpu.memref_squeeze %parallel_loop3A_364 : memref<1x128x64xi32, #tpu.memory_space<vmem>> -> memref<128x64xi32, #tpu.memory_space<vmem>>
        %parallel_loop3A_366 = arith.index_cast %parallel_loop3A_318 : i32 to index
        %parallel_loop3A_367 = arith.constant 32 : index
        %parallel_loop3A_368 = tpu.vector_load %parallel_loop3A_365[%parallel_loop3A_366, %parallel_loop3A_367] {strides = array<i32>} : memref<128x64xi32, #tpu.memory_space<vmem>>, vector<16xi32>,
        %parallel_loop3A_369 = vector.bitcast %parallel_loop3A_368 : vector<16xi32> to vector<32xbf16>
        %parallel_loop3A_370 = arith.mulf %parallel_loop3A_361, %parallel_loop3A_369 : vector<32xbf16>
        %parallel_loop3A_371 = arith.addf %parallel_loop3A_353, %parallel_loop3A_370 : vector<32xbf16>
        %parallel_loop3A_372 = arith.constant 0 : i32
        %parallel_loop3A_373 = arith.constant 0 : i32
        %parallel_loop3A_374 = tpu.memref_slice %arg8[%parallel_loop3A_228, %parallel_loop3A_372, %parallel_loop3A_373] : memref<3x128x64xi32, #tpu.memory_space<vmem>> -> memref<1x128x64xi32, #tpu.memory_space<vmem>>
        %parallel_loop3A_375 = tpu.memref_squeeze %parallel_loop3A_374 : memref<1x128x64xi32, #tpu.memory_space<vmem>> -> memref<128x64xi32, #tpu.memory_space<vmem>>
        %parallel_loop3A_376 = arith.index_cast %parallel_loop3A_318 : i32 to index
        %parallel_loop3A_377 = arith.constant 48 : index
        %parallel_loop3A_378 = tpu.vector_load %parallel_loop3A_375[%parallel_loop3A_376, %parallel_loop3A_377] {strides = array<i32>} : memref<128x64xi32, #tpu.memory_space<vmem>>, vector<16xi32>,
        %parallel_loop3A_379 = vector.bitcast %parallel_loop3A_378 : vector<16xi32> to vector<32xbf16>
        %parallel_loop3A_380 = arith.constant 0 : i32
        %parallel_loop3A_381 = arith.constant 0 : i32
        %parallel_loop3A_382 = tpu.memref_slice %arg9[%parallel_loop3A_229, %parallel_loop3A_380, %parallel_loop3A_381] : memref<3x128x64xi32, #tpu.memory_space<vmem>> -> memref<1x128x64xi32, #tpu.memory_space<vmem>>
        %parallel_loop3A_383 = tpu.memref_squeeze %parallel_loop3A_382 : memref<1x128x64xi32, #tpu.memory_space<vmem>> -> memref<128x64xi32, #tpu.memory_space<vmem>>
        %parallel_loop3A_384 = arith.index_cast %parallel_loop3A_318 : i32 to index
        %parallel_loop3A_385 = arith.constant 48 : index
        %parallel_loop3A_386 = tpu.vector_load %parallel_loop3A_383[%parallel_loop3A_384, %parallel_loop3A_385] {strides = array<i32>} : memref<128x64xi32, #tpu.memory_space<vmem>>, vector<16xi32>,
        %parallel_loop3A_387 = vector.bitcast %parallel_loop3A_386 : vector<16xi32> to vector<32xbf16>
        %parallel_loop3A_388 = arith.mulf %parallel_loop3A_379, %parallel_loop3A_387 : vector<32xbf16>
        %parallel_loop3A_389 = arith.addf %parallel_loop3A_371, %parallel_loop3A_388 : vector<32xbf16>
        %parallel_loop3A_390 = tpu.unpack_subelements %parallel_loop3A_389, 0 {pack_format = #tpu.pack_format<interleaved>} : vector<32xbf16> -> vector<16xf32>
        %parallel_loop3A_391 = tpu.unpack_subelements %parallel_loop3A_389, 1 {pack_format = #tpu.pack_format<interleaved>} : vector<32xbf16> -> vector<16xf32>
        %parallel_loop3A_392 = arith.addf %parallel_loop3A_390, %parallel_loop3A_391 : vector<16xf32>
        %parallel_loop3A_393 = arith.constant true
        %parallel_loop3A_394 = vector.broadcast %parallel_loop3A_393 : i1 to vector<16xi1>
        %parallel_loop3A_395 = tpu.scan <sum>, %parallel_loop3A_392 masked %parallel_loop3A_394 : vector<16xf32>, vector<16xi1> -> vector<16xf32>
        %parallel_loop3A_396 = arith.constant 128 : i32
        %parallel_loop3A_397 = arith.muli %add3A_192, %parallel_loop3A_396 : i32
        %parallel_loop3A_398 = arith.addi %parallel_loop3A_397, %parallel_loop3A_318 : i32
        %parallel_loop3A_399 = arith.index_cast %parallel_loop3A_398 : i32 to index
        %parallel_loop3A_400 = tpu.vector_load %arg10[%parallel_loop3A_399] masked %eq3A_100 {strides = array<i32>} : memref<10016xf32, #tpu.memory_space<vmem>>, vector<16xf32>, vector<16xi1>
        tpu.vector_store %arg10[%parallel_loop3A_399], %parallel_loop3A_395 masked %eq3A_100 {strides = array<i32>} : memref<10016xf32, #tpu.memory_space<vmem>>, vector<16xf32>, vector<16xi1>
      } {sc.loop_unroll_factor = 1 : i64, sc.parallel_access}
      %mul3A_230 = arith.constant 3 : i32
      %mul3A_231 = arith.muli %mul3A_230, %scan3A_188 : i32
      %add3A_232 = arith.constant 1 : i32
      %add3A_233 = arith.addi %mul3A_231, %add3A_232 : i32
      %add3A_234 = arith.constant 2 : i32
      %add3A_235 = arith.addi %add3A_233, %add3A_234 : i32
      %lt3A_236 = arith.constant 79 : i32
      %lt3A_237 = arith.cmpi slt, %add3A_235, %lt3A_236 : i32
      %convert_element_type3A_238 = arith.extui %lt3A_237 : i1 to i32
      %cond3A_239 = arith.constant 0 : i32
      %cond3A_240 = arith.cmpi ne, %convert_element_type3A_238, %cond3A_239 : i32
      scf.if %cond3A_240 {
        %add3A_318 = arith.constant 2 : i32
        %add3A_319 = arith.addi %add3A_233, %add3A_318 : i32
        %mul3A_320 = arith.constant 128 : i32
        %mul3A_321 = arith.muli %add3A_319, %mul3A_320 : i32
        %mul3A_322 = arith.constant 128 : i32
        %mul3A_323 = arith.muli %add3A_319, %mul3A_322 : i32
        %dma_start3A_324 = arith.constant 0 : i32
        %dma_start3A_325 = arith.constant 0 : i32
        %dma_start3A_326 = arith.constant 0 : i32
        %dma_start3A_327 = arith.constant 0 : i32
        %dma_start3A_328 = tpu.memref_slice %arg8[%dma_start3A_324, %dma_start3A_326, %dma_start3A_327] : memref<3x128x64xi32, #tpu.memory_space<vmem>> -> memref<1x128x64xi32, #tpu.memory_space<vmem>>
        %dma_start3A_329 = tpu.memref_squeeze %dma_start3A_328 : memref<1x128x64xi32, #tpu.memory_space<vmem>> -> memref<128x64xi32, #tpu.memory_space<vmem>>
        %dma_start3A_330 = tpu.memref_slice %arg6[%mul3A_321] : memref<10112xi32, #tpu.memory_space<vmem>> -> memref<128xi32, #tpu.memory_space<vmem>>
        %dma_start3A_331 = arith.constant 0 : i32
        %dma_start3A_332 = arith.constant 0 : i32
        %dma_start3A_333 = tpu.memref_slice %arg5[%dma_start3A_331, %dma_start3A_332] : memref<10000x64xi32, #tpu.memory_space<vmem_shared>> -> memref<10000x64xi32, #tpu.memory_space<vmem_shared>>
        %dma_start3A_334 = tpu.memref_slice %arg11[%dma_start3A_325] : memref<6x!tpu.dma_semaphore, #tpu.memory_space<semaphore_mem>> -> memref<1x!tpu.dma_semaphore, #tpu.memory_space<semaphore_mem>>
        %dma_start3A_335 = tpu.memref_squeeze %dma_start3A_334 : memref<1x!tpu.dma_semaphore, #tpu.memory_space<semaphore_mem>> -> memref<!tpu.dma_semaphore, #tpu.memory_space<semaphore_mem>>
        tpu.enqueue_indirect_dma source(%dma_start3A_333 : memref<10000x64xi32, #tpu.memory_space<vmem_shared>>) target(%dma_start3A_329 : memref<128x64xi32, #tpu.memory_space<vmem>>) offsets(%dma_start3A_330 : memref<128xi32, #tpu.memory_space<vmem>>) semaphore(%dma_start3A_335 : memref<!tpu.dma_semaphore, #tpu.memory_space<semaphore_mem>>)
        %dma_start3A_336 = arith.constant 0 : i32
        %dma_start3A_337 = arith.constant 1 : i32
        %dma_start3A_338 = arith.constant 0 : i32
        %dma_start3A_339 = arith.constant 0 : i32
        %dma_start3A_340 = tpu.memref_slice %arg9[%dma_start3A_336, %dma_start3A_338, %dma_start3A_339] : memref<3x128x64xi32, #tpu.memory_space<vmem>> -> memref<1x128x64xi32, #tpu.memory_space<vmem>>
        %dma_start3A_341 = tpu.memref_squeeze %dma_start3A_340 : memref<1x128x64xi32, #tpu.memory_space<vmem>> -> memref<128x64xi32, #tpu.memory_space<vmem>>
        %dma_start3A_342 = tpu.memref_slice %arg7[%mul3A_323] : memref<10112xi32, #tpu.memory_space<vmem>> -> memref<128xi32, #tpu.memory_space<vmem>>
        %dma_start3A_343 = arith.constant 0 : i32
        %dma_start3A_344 = arith.constant 0 : i32
        %dma_start3A_345 = tpu.memref_slice %arg5[%dma_start3A_343, %dma_start3A_344] : memref<10000x64xi32, #tpu.memory_space<vmem_shared>> -> memref<10000x64xi32, #tpu.memory_space<vmem_shared>>
        %dma_start3A_346 = tpu.memref_slice %arg11[%dma_start3A_337] : memref<6x!tpu.dma_semaphore, #tpu.memory_space<semaphore_mem>> -> memref<1x!tpu.dma_semaphore, #tpu.memory_space<semaphore_mem>>
        %dma_start3A_347 = tpu.memref_squeeze %dma_start3A_346 : memref<1x!tpu.dma_semaphore, #tpu.memory_space<semaphore_mem>> -> memref<!tpu.dma_semaphore, #tpu.memory_space<semaphore_mem>>
        tpu.enqueue_indirect_dma source(%dma_start3A_345 : memref<10000x64xi32, #tpu.memory_space<vmem_shared>>) target(%dma_start3A_341 : memref<128x64xi32, #tpu.memory_space<vmem>>) offsets(%dma_start3A_342 : memref<128xi32, #tpu.memory_space<vmem>>) semaphore(%dma_start3A_347 : memref<!tpu.dma_semaphore, #tpu.memory_space<semaphore_mem>>)
      } else {
      }
      %mul3A_241 = arith.constant 128 : i32
      %mul3A_242 = arith.muli %add3A_233, %mul3A_241 : i32
      %mul3A_243 = arith.constant 128 : i32
      %mul3A_244 = arith.muli %add3A_233, %mul3A_243 : i32
      %dma_wait3A_245 = arith.constant 1 : i32
      %dma_wait3A_246 = arith.constant 2 : i32
      %dma_wait3A_247 = arith.constant 0 : i32
      %dma_wait3A_248 = arith.constant 0 : i32
      %dma_wait3A_249 = tpu.memref_slice %arg8[%dma_wait3A_245, %dma_wait3A_247, %dma_wait3A_248] : memref<3x128x64xi32, #tpu.memory_space<vmem>> -> memref<1x128x64xi32, #tpu.memory_space<vmem>>
      %dma_wait3A_250 = tpu.memref_squeeze %dma_wait3A_249 : memref<1x128x64xi32, #tpu.memory_space<vmem>> -> memref<128x64xi32, #tpu.memory_space<vmem>>
      %dma_wait3A_251 = tpu.memref_slice %arg6[%mul3A_242] : memref<10112xi32, #tpu.memory_space<vmem>> -> memref<128xi32, #tpu.memory_space<vmem>>
      %dma_wait3A_252 = arith.constant 0 : i32
      %dma_wait3A_253 = arith.constant 0 : i32
      %dma_wait3A_254 = tpu.memref_slice %arg5[%dma_wait3A_252, %dma_wait3A_253] : memref<10000x64xi32, #tpu.memory_space<vmem_shared>> -> memref<10000x64xi32, #tpu.memory_space<vmem_shared>>
      %dma_wait3A_255 = tpu.memref_slice %arg11[%dma_wait3A_246] : memref<6x!tpu.dma_semaphore, #tpu.memory_space<semaphore_mem>> -> memref<1x!tpu.dma_semaphore, #tpu.memory_space<semaphore_mem>>
      %dma_wait3A_256 = tpu.memref_squeeze %dma_wait3A_255 : memref<1x!tpu.dma_semaphore, #tpu.memory_space<semaphore_mem>> -> memref<!tpu.dma_semaphore, #tpu.memory_space<semaphore_mem>>
      tpu.wait_indirect_dma semaphore(%dma_wait3A_256 : memref<!tpu.dma_semaphore, #tpu.memory_space<semaphore_mem>>) src(%dma_wait3A_254 : memref<10000x64xi32, #tpu.memory_space<vmem_shared>>) dst(%dma_wait3A_250 : memref<128x64xi32, #tpu.memory_space<vmem>>)
      %dma_wait3A_257 = arith.constant 1 : i32
      %dma_wait3A_258 = arith.constant 3 : i32
      %dma_wait3A_259 = arith.constant 0 : i32
      %dma_wait3A_260 = arith.constant 0 : i32
      %dma_wait3A_261 = tpu.memref_slice %arg9[%dma_wait3A_257, %dma_wait3A_259, %dma_wait3A_260] : memref<3x128x64xi32, #tpu.memory_space<vmem>> -> memref<1x128x64xi32, #tpu.memory_space<vmem>>
      %dma_wait3A_262 = tpu.memref_squeeze %dma_wait3A_261 : memref<1x128x64xi32, #tpu.memory_space<vmem>> -> memref<128x64xi32, #tpu.memory_space<vmem>>
      %dma_wait3A_263 = tpu.memref_slice %arg7[%mul3A_244] : memref<10112xi32, #tpu.memory_space<vmem>> -> memref<128xi32, #tpu.memory_space<vmem>>
      %dma_wait3A_264 = arith.constant 0 : i32
      %dma_wait3A_265 = arith.constant 0 : i32
      %dma_wait3A_266 = tpu.memref_slice %arg5[%dma_wait3A_264, %dma_wait3A_265] : memref<10000x64xi32, #tpu.memory_space<vmem_shared>> -> memref<10000x64xi32, #tpu.memory_space<vmem_shared>>
      %dma_wait3A_267 = tpu.memref_slice %arg11[%dma_wait3A_258] : memref<6x!tpu.dma_semaphore, #tpu.memory_space<semaphore_mem>> -> memref<1x!tpu.dma_semaphore, #tpu.memory_space<semaphore_mem>>
      %dma_wait3A_268 = tpu.memref_squeeze %dma_wait3A_267 : memref<1x!tpu.dma_semaphore, #tpu.memory_space<semaphore_mem>> -> memref<!tpu.dma_semaphore, #tpu.memory_space<semaphore_mem>>
      tpu.wait_indirect_dma semaphore(%dma_wait3A_268 : memref<!tpu.dma_semaphore, #tpu.memory_space<semaphore_mem>>) src(%dma_wait3A_266 : memref<10000x64xi32, #tpu.memory_space<vmem_shared>>) dst(%dma_wait3A_262 : memref<128x64xi32, #tpu.memory_space<vmem>>)
      %parallel_loop3A_269 = arith.constant 0 : i32
      %parallel_loop3A_270 = arith.constant 128 : i32
      %parallel_loop3A_271 = arith.constant 1 : i32
      %parallel_loop3A_272 = arith.constant 1 : i32
      %parallel_loop3A_273 = arith.constant 1 : i32
      scf.for %parallel_loop3A_318 = %parallel_loop3A_269 to %parallel_loop3A_270 step %parallel_loop3A_271  : i32 {
        %parallel_loop3A_319 = arith.constant 0 : i32
        %parallel_loop3A_320 = arith.constant 0 : i32
        %parallel_loop3A_321 = tpu.memref_slice %arg8[%parallel_loop3A_272, %parallel_loop3A_319, %parallel_loop3A_320] : memref<3x128x64xi32, #tpu.memory_space<vmem>> -> memref<1x128x64xi32, #tpu.memory_space<vmem>>
        %parallel_loop3A_322 = tpu.memref_squeeze %parallel_loop3A_321 : memref<1x128x64xi32, #tpu.memory_space<vmem>> -> memref<128x64xi32, #tpu.memory_space<vmem>>
        %parallel_loop3A_323 = arith.index_cast %parallel_loop3A_318 : i32 to index
        %parallel_loop3A_324 = arith.constant 0 : index
        %parallel_loop3A_325 = tpu.vector_load %parallel_loop3A_322[%parallel_loop3A_323, %parallel_loop3A_324] {strides = array<i32>} : memref<128x64xi32, #tpu.memory_space<vmem>>, vector<16xi32>,
        %parallel_loop3A_326 = vector.bitcast %parallel_loop3A_325 : vector<16xi32> to vector<32xbf16>
        %parallel_loop3A_327 = arith.constant 0 : i32
        %parallel_loop3A_328 = arith.constant 0 : i32
        %parallel_loop3A_329 = tpu.memref_slice %arg9[%parallel_loop3A_273, %parallel_loop3A_327, %parallel_loop3A_328] : memref<3x128x64xi32, #tpu.memory_space<vmem>> -> memref<1x128x64xi32, #tpu.memory_space<vmem>>
        %parallel_loop3A_330 = tpu.memref_squeeze %parallel_loop3A_329 : memref<1x128x64xi32, #tpu.memory_space<vmem>> -> memref<128x64xi32, #tpu.memory_space<vmem>>
        %parallel_loop3A_331 = arith.index_cast %parallel_loop3A_318 : i32 to index
        %parallel_loop3A_332 = arith.constant 0 : index
        %parallel_loop3A_333 = tpu.vector_load %parallel_loop3A_330[%parallel_loop3A_331, %parallel_loop3A_332] {strides = array<i32>} : memref<128x64xi32, #tpu.memory_space<vmem>>, vector<16xi32>,
        %parallel_loop3A_334 = vector.bitcast %parallel_loop3A_333 : vector<16xi32> to vector<32xbf16>
        %parallel_loop3A_335 = arith.mulf %parallel_loop3A_326, %parallel_loop3A_334 : vector<32xbf16>
        %parallel_loop3A_336 = arith.constant 0 : i32
        %parallel_loop3A_337 = arith.constant 0 : i32
        %parallel_loop3A_338 = tpu.memref_slice %arg8[%parallel_loop3A_272, %parallel_loop3A_336, %parallel_loop3A_337] : memref<3x128x64xi32, #tpu.memory_space<vmem>> -> memref<1x128x64xi32, #tpu.memory_space<vmem>>
        %parallel_loop3A_339 = tpu.memref_squeeze %parallel_loop3A_338 : memref<1x128x64xi32, #tpu.memory_space<vmem>> -> memref<128x64xi32, #tpu.memory_space<vmem>>
        %parallel_loop3A_340 = arith.index_cast %parallel_loop3A_318 : i32 to index
        %parallel_loop3A_341 = arith.constant 16 : index
        %parallel_loop3A_342 = tpu.vector_load %parallel_loop3A_339[%parallel_loop3A_340, %parallel_loop3A_341] {strides = array<i32>} : memref<128x64xi32, #tpu.memory_space<vmem>>, vector<16xi32>,
        %parallel_loop3A_343 = vector.bitcast %parallel_loop3A_342 : vector<16xi32> to vector<32xbf16>
        %parallel_loop3A_344 = arith.constant 0 : i32
        %parallel_loop3A_345 = arith.constant 0 : i32
        %parallel_loop3A_346 = tpu.memref_slice %arg9[%parallel_loop3A_273, %parallel_loop3A_344, %parallel_loop3A_345] : memref<3x128x64xi32, #tpu.memory_space<vmem>> -> memref<1x128x64xi32, #tpu.memory_space<vmem>>
        %parallel_loop3A_347 = tpu.memref_squeeze %parallel_loop3A_346 : memref<1x128x64xi32, #tpu.memory_space<vmem>> -> memref<128x64xi32, #tpu.memory_space<vmem>>
        %parallel_loop3A_348 = arith.index_cast %parallel_loop3A_318 : i32 to index
        %parallel_loop3A_349 = arith.constant 16 : index
        %parallel_loop3A_350 = tpu.vector_load %parallel_loop3A_347[%parallel_loop3A_348, %parallel_loop3A_349] {strides = array<i32>} : memref<128x64xi32, #tpu.memory_space<vmem>>, vector<16xi32>,
        %parallel_loop3A_351 = vector.bitcast %parallel_loop3A_350 : vector<16xi32> to vector<32xbf16>
        %parallel_loop3A_352 = arith.mulf %parallel_loop3A_343, %parallel_loop3A_351 : vector<32xbf16>
        %parallel_loop3A_353 = arith.addf %parallel_loop3A_335, %parallel_loop3A_352 : vector<32xbf16>
        %parallel_loop3A_354 = arith.constant 0 : i32
        %parallel_loop3A_355 = arith.constant 0 : i32
        %parallel_loop3A_356 = tpu.memref_slice %arg8[%parallel_loop3A_272, %parallel_loop3A_354, %parallel_loop3A_355] : memref<3x128x64xi32, #tpu.memory_space<vmem>> -> memref<1x128x64xi32, #tpu.memory_space<vmem>>
        %parallel_loop3A_357 = tpu.memref_squeeze %parallel_loop3A_356 : memref<1x128x64xi32, #tpu.memory_space<vmem>> -> memref<128x64xi32, #tpu.memory_space<vmem>>
        %parallel_loop3A_358 = arith.index_cast %parallel_loop3A_318 : i32 to index
        %parallel_loop3A_359 = arith.constant 32 : index
        %parallel_loop3A_360 = tpu.vector_load %parallel_loop3A_357[%parallel_loop3A_358, %parallel_loop3A_359] {strides = array<i32>} : memref<128x64xi32, #tpu.memory_space<vmem>>, vector<16xi32>,
        %parallel_loop3A_361 = vector.bitcast %parallel_loop3A_360 : vector<16xi32> to vector<32xbf16>
        %parallel_loop3A_362 = arith.constant 0 : i32
        %parallel_loop3A_363 = arith.constant 0 : i32
        %parallel_loop3A_364 = tpu.memref_slice %arg9[%parallel_loop3A_273, %parallel_loop3A_362, %parallel_loop3A_363] : memref<3x128x64xi32, #tpu.memory_space<vmem>> -> memref<1x128x64xi32, #tpu.memory_space<vmem>>
        %parallel_loop3A_365 = tpu.memref_squeeze %parallel_loop3A_364 : memref<1x128x64xi32, #tpu.memory_space<vmem>> -> memref<128x64xi32, #tpu.memory_space<vmem>>
        %parallel_loop3A_366 = arith.index_cast %parallel_loop3A_318 : i32 to index
        %parallel_loop3A_367 = arith.constant 32 : index
        %parallel_loop3A_368 = tpu.vector_load %parallel_loop3A_365[%parallel_loop3A_366, %parallel_loop3A_367] {strides = array<i32>} : memref<128x64xi32, #tpu.memory_space<vmem>>, vector<16xi32>,
        %parallel_loop3A_369 = vector.bitcast %parallel_loop3A_368 : vector<16xi32> to vector<32xbf16>
        %parallel_loop3A_370 = arith.mulf %parallel_loop3A_361, %parallel_loop3A_369 : vector<32xbf16>
        %parallel_loop3A_371 = arith.addf %parallel_loop3A_353, %parallel_loop3A_370 : vector<32xbf16>
        %parallel_loop3A_372 = arith.constant 0 : i32
        %parallel_loop3A_373 = arith.constant 0 : i32
        %parallel_loop3A_374 = tpu.memref_slice %arg8[%parallel_loop3A_272, %parallel_loop3A_372, %parallel_loop3A_373] : memref<3x128x64xi32, #tpu.memory_space<vmem>> -> memref<1x128x64xi32, #tpu.memory_space<vmem>>
        %parallel_loop3A_375 = tpu.memref_squeeze %parallel_loop3A_374 : memref<1x128x64xi32, #tpu.memory_space<vmem>> -> memref<128x64xi32, #tpu.memory_space<vmem>>
        %parallel_loop3A_376 = arith.index_cast %parallel_loop3A_318 : i32 to index
        %parallel_loop3A_377 = arith.constant 48 : index
        %parallel_loop3A_378 = tpu.vector_load %parallel_loop3A_375[%parallel_loop3A_376, %parallel_loop3A_377] {strides = array<i32>} : memref<128x64xi32, #tpu.memory_space<vmem>>, vector<16xi32>,
        %parallel_loop3A_379 = vector.bitcast %parallel_loop3A_378 : vector<16xi32> to vector<32xbf16>
        %parallel_loop3A_380 = arith.constant 0 : i32
        %parallel_loop3A_381 = arith.constant 0 : i32
        %parallel_loop3A_382 = tpu.memref_slice %arg9[%parallel_loop3A_273, %parallel_loop3A_380, %parallel_loop3A_381] : memref<3x128x64xi32, #tpu.memory_space<vmem>> -> memref<1x128x64xi32, #tpu.memory_space<vmem>>
        %parallel_loop3A_383 = tpu.memref_squeeze %parallel_loop3A_382 : memref<1x128x64xi32, #tpu.memory_space<vmem>> -> memref<128x64xi32, #tpu.memory_space<vmem>>
        %parallel_loop3A_384 = arith.index_cast %parallel_loop3A_318 : i32 to index
        %parallel_loop3A_385 = arith.constant 48 : index
        %parallel_loop3A_386 = tpu.vector_load %parallel_loop3A_383[%parallel_loop3A_384, %parallel_loop3A_385] {strides = array<i32>} : memref<128x64xi32, #tpu.memory_space<vmem>>, vector<16xi32>,
        %parallel_loop3A_387 = vector.bitcast %parallel_loop3A_386 : vector<16xi32> to vector<32xbf16>
        %parallel_loop3A_388 = arith.mulf %parallel_loop3A_379, %parallel_loop3A_387 : vector<32xbf16>
        %parallel_loop3A_389 = arith.addf %parallel_loop3A_371, %parallel_loop3A_388 : vector<32xbf16>
        %parallel_loop3A_390 = tpu.unpack_subelements %parallel_loop3A_389, 0 {pack_format = #tpu.pack_format<interleaved>} : vector<32xbf16> -> vector<16xf32>
        %parallel_loop3A_391 = tpu.unpack_subelements %parallel_loop3A_389, 1 {pack_format = #tpu.pack_format<interleaved>} : vector<32xbf16> -> vector<16xf32>
        %parallel_loop3A_392 = arith.addf %parallel_loop3A_390, %parallel_loop3A_391 : vector<16xf32>
        %parallel_loop3A_393 = arith.constant true
        %parallel_loop3A_394 = vector.broadcast %parallel_loop3A_393 : i1 to vector<16xi1>
        %parallel_loop3A_395 = tpu.scan <sum>, %parallel_loop3A_392 masked %parallel_loop3A_394 : vector<16xf32>, vector<16xi1> -> vector<16xf32>
        %parallel_loop3A_396 = arith.constant 128 : i32
        %parallel_loop3A_397 = arith.muli %add3A_233, %parallel_loop3A_396 : i32
        %parallel_loop3A_398 = arith.addi %parallel_loop3A_397, %parallel_loop3A_318 : i32
        %parallel_loop3A_399 = arith.index_cast %parallel_loop3A_398 : i32 to index
        %parallel_loop3A_400 = tpu.vector_load %arg10[%parallel_loop3A_399] masked %eq3A_100 {strides = array<i32>} : memref<10016xf32, #tpu.memory_space<vmem>>, vector<16xf32>, vector<16xi1>
        tpu.vector_store %arg10[%parallel_loop3A_399], %parallel_loop3A_395 masked %eq3A_100 {strides = array<i32>} : memref<10016xf32, #tpu.memory_space<vmem>>, vector<16xf32>, vector<16xi1>
      } {sc.loop_unroll_factor = 1 : i64, sc.parallel_access}
      %mul3A_274 = arith.constant 3 : i32
      %mul3A_275 = arith.muli %mul3A_274, %scan3A_188 : i32
      %add3A_276 = arith.constant 2 : i32
      %add3A_277 = arith.addi %mul3A_275, %add3A_276 : i32
      %add3A_278 = arith.constant 2 : i32
      %add3A_279 = arith.addi %add3A_277, %add3A_278 : i32
      %lt3A_280 = arith.constant 79 : i32
      %lt3A_281 = arith.cmpi slt, %add3A_279, %lt3A_280 : i32
      %convert_element_type3A_282 = arith.extui %lt3A_281 : i1 to i32
      %cond3A_283 = arith.constant 0 : i32
      %cond3A_284 = arith.cmpi ne, %convert_element_type3A_282, %cond3A_283 : i32
      scf.if %cond3A_284 {
        %add3A_318 = arith.constant 2 : i32
        %add3A_319 = arith.addi %add3A_277, %add3A_318 : i32
        %mul3A_320 = arith.constant 128 : i32
        %mul3A_321 = arith.muli %add3A_319, %mul3A_320 : i32
        %mul3A_322 = arith.constant 128 : i32
        %mul3A_323 = arith.muli %add3A_319, %mul3A_322 : i32
        %dma_start3A_324 = arith.constant 1 : i32
        %dma_start3A_325 = arith.constant 2 : i32
        %dma_start3A_326 = arith.constant 0 : i32
        %dma_start3A_327 = arith.constant 0 : i32
        %dma_start3A_328 = tpu.memref_slice %arg8[%dma_start3A_324, %dma_start3A_326, %dma_start3A_327] : memref<3x128x64xi32, #tpu.memory_space<vmem>> -> memref<1x128x64xi32, #tpu.memory_space<vmem>>
        %dma_start3A_329 = tpu.memref_squeeze %dma_start3A_328 : memref<1x128x64xi32, #tpu.memory_space<vmem>> -> memref<128x64xi32, #tpu.memory_space<vmem>>
        %dma_start3A_330 = tpu.memref_slice %arg6[%mul3A_321] : memref<10112xi32, #tpu.memory_space<vmem>> -> memref<128xi32, #tpu.memory_space<vmem>>
        %dma_start3A_331 = arith.constant 0 : i32
        %dma_start3A_332 = arith.constant 0 : i32
        %dma_start3A_333 = tpu.memref_slice %arg5[%dma_start3A_331, %dma_start3A_332] : memref<10000x64xi32, #tpu.memory_space<vmem_shared>> -> memref<10000x64xi32, #tpu.memory_space<vmem_shared>>
        %dma_start3A_334 = tpu.memref_slice %arg11[%dma_start3A_325] : memref<6x!tpu.dma_semaphore, #tpu.memory_space<semaphore_mem>> -> memref<1x!tpu.dma_semaphore, #tpu.memory_space<semaphore_mem>>
        %dma_start3A_335 = tpu.memref_squeeze %dma_start3A_334 : memref<1x!tpu.dma_semaphore, #tpu.memory_space<semaphore_mem>> -> memref<!tpu.dma_semaphore, #tpu.memory_space<semaphore_mem>>
        tpu.enqueue_indirect_dma source(%dma_start3A_333 : memref<10000x64xi32, #tpu.memory_space<vmem_shared>>) target(%dma_start3A_329 : memref<128x64xi32, #tpu.memory_space<vmem>>) offsets(%dma_start3A_330 : memref<128xi32, #tpu.memory_space<vmem>>) semaphore(%dma_start3A_335 : memref<!tpu.dma_semaphore, #tpu.memory_space<semaphore_mem>>)
        %dma_start3A_336 = arith.constant 1 : i32
        %dma_start3A_337 = arith.constant 3 : i32
        %dma_start3A_338 = arith.constant 0 : i32
        %dma_start3A_339 = arith.constant 0 : i32
        %dma_start3A_340 = tpu.memref_slice %arg9[%dma_start3A_336, %dma_start3A_338, %dma_start3A_339] : memref<3x128x64xi32, #tpu.memory_space<vmem>> -> memref<1x128x64xi32, #tpu.memory_space<vmem>>
        %dma_start3A_341 = tpu.memref_squeeze %dma_start3A_340 : memref<1x128x64xi32, #tpu.memory_space<vmem>> -> memref<128x64xi32, #tpu.memory_space<vmem>>
        %dma_start3A_342 = tpu.memref_slice %arg7[%mul3A_323] : memref<10112xi32, #tpu.memory_space<vmem>> -> memref<128xi32, #tpu.memory_space<vmem>>
        %dma_start3A_343 = arith.constant 0 : i32
        %dma_start3A_344 = arith.constant 0 : i32
        %dma_start3A_345 = tpu.memref_slice %arg5[%dma_start3A_343, %dma_start3A_344] : memref<10000x64xi32, #tpu.memory_space<vmem_shared>> -> memref<10000x64xi32, #tpu.memory_space<vmem_shared>>
        %dma_start3A_346 = tpu.memref_slice %arg11[%dma_start3A_337] : memref<6x!tpu.dma_semaphore, #tpu.memory_space<semaphore_mem>> -> memref<1x!tpu.dma_semaphore, #tpu.memory_space<semaphore_mem>>
        %dma_start3A_347 = tpu.memref_squeeze %dma_start3A_346 : memref<1x!tpu.dma_semaphore, #tpu.memory_space<semaphore_mem>> -> memref<!tpu.dma_semaphore, #tpu.memory_space<semaphore_mem>>
        tpu.enqueue_indirect_dma source(%dma_start3A_345 : memref<10000x64xi32, #tpu.memory_space<vmem_shared>>) target(%dma_start3A_341 : memref<128x64xi32, #tpu.memory_space<vmem>>) offsets(%dma_start3A_342 : memref<128xi32, #tpu.memory_space<vmem>>) semaphore(%dma_start3A_347 : memref<!tpu.dma_semaphore, #tpu.memory_space<semaphore_mem>>)
      } else {
      }
      %mul3A_285 = arith.constant 128 : i32
      %mul3A_286 = arith.muli %add3A_277, %mul3A_285 : i32
      %mul3A_287 = arith.constant 128 : i32
      %mul3A_288 = arith.muli %add3A_277, %mul3A_287 : i32
      %dma_wait3A_289 = arith.constant 2 : i32
      %dma_wait3A_290 = arith.constant 4 : i32
      %dma_wait3A_291 = arith.constant 0 : i32
      %dma_wait3A_292 = arith.constant 0 : i32
      %dma_wait3A_293 = tpu.memref_slice %arg8[%dma_wait3A_289, %dma_wait3A_291, %dma_wait3A_292] : memref<3x128x64xi32, #tpu.memory_space<vmem>> -> memref<1x128x64xi32, #tpu.memory_space<vmem>>
      %dma_wait3A_294 = tpu.memref_squeeze %dma_wait3A_293 : memref<1x128x64xi32, #tpu.memory_space<vmem>> -> memref<128x64xi32, #tpu.memory_space<vmem>>
      %dma_wait3A_295 = tpu.memref_slice %arg6[%mul3A_286] : memref<10112xi32, #tpu.memory_space<vmem>> -> memref<128xi32, #tpu.memory_space<vmem>>
      %dma_wait3A_296 = arith.constant 0 : i32
      %dma_wait3A_297 = arith.constant 0 : i32
      %dma_wait3A_298 = tpu.memref_slice %arg5[%dma_wait3A_296, %dma_wait3A_297] : memref<10000x64xi32, #tpu.memory_space<vmem_shared>> -> memref<10000x64xi32, #tpu.memory_space<vmem_shared>>
      %dma_wait3A_299 = tpu.memref_slice %arg11[%dma_wait3A_290] : memref<6x!tpu.dma_semaphore, #tpu.memory_space<semaphore_mem>> -> memref<1x!tpu.dma_semaphore, #tpu.memory_space<semaphore_mem>>
      %dma_wait3A_300 = tpu.memref_squeeze %dma_wait3A_299 : memref<1x!tpu.dma_semaphore, #tpu.memory_space<semaphore_mem>> -> memref<!tpu.dma_semaphore, #tpu.memory_space<semaphore_mem>>
      tpu.wait_indirect_dma semaphore(%dma_wait3A_300 : memref<!tpu.dma_semaphore, #tpu.memory_space<semaphore_mem>>) src(%dma_wait3A_298 : memref<10000x64xi32, #tpu.memory_space<vmem_shared>>) dst(%dma_wait3A_294 : memref<128x64xi32, #tpu.memory_space<vmem>>)
      %dma_wait3A_301 = arith.constant 2 : i32
      %dma_wait3A_302 = arith.constant 5 : i32
      %dma_wait3A_303 = arith.constant 0 : i32
      %dma_wait3A_304 = arith.constant 0 : i32
      %dma_wait3A_305 = tpu.memref_slice %arg9[%dma_wait3A_301, %dma_wait3A_303, %dma_wait3A_304] : memref<3x128x64xi32, #tpu.memory_space<vmem>> -> memref<1x128x64xi32, #tpu.memory_space<vmem>>
      %dma_wait3A_306 = tpu.memref_squeeze %dma_wait3A_305 : memref<1x128x64xi32, #tpu.memory_space<vmem>> -> memref<128x64xi32, #tpu.memory_space<vmem>>
      %dma_wait3A_307 = tpu.memref_slice %arg7[%mul3A_288] : memref<10112xi32, #tpu.memory_space<vmem>> -> memref<128xi32, #tpu.memory_space<vmem>>
      %dma_wait3A_308 = arith.constant 0 : i32
      %dma_wait3A_309 = arith.constant 0 : i32
      %dma_wait3A_310 = tpu.memref_slice %arg5[%dma_wait3A_308, %dma_wait3A_309] : memref<10000x64xi32, #tpu.memory_space<vmem_shared>> -> memref<10000x64xi32, #tpu.memory_space<vmem_shared>>
      %dma_wait3A_311 = tpu.memref_slice %arg11[%dma_wait3A_302] : memref<6x!tpu.dma_semaphore, #tpu.memory_space<semaphore_mem>> -> memref<1x!tpu.dma_semaphore, #tpu.memory_space<semaphore_mem>>
      %dma_wait3A_312 = tpu.memref_squeeze %dma_wait3A_311 : memref<1x!tpu.dma_semaphore, #tpu.memory_space<semaphore_mem>> -> memref<!tpu.dma_semaphore, #tpu.memory_space<semaphore_mem>>
      tpu.wait_indirect_dma semaphore(%dma_wait3A_312 : memref<!tpu.dma_semaphore, #tpu.memory_space<semaphore_mem>>) src(%dma_wait3A_310 : memref<10000x64xi32, #tpu.memory_space<vmem_shared>>) dst(%dma_wait3A_306 : memref<128x64xi32, #tpu.memory_space<vmem>>)
      %parallel_loop3A_313 = arith.constant 0 : i32
      %parallel_loop3A_314 = arith.constant 128 : i32
      %parallel_loop3A_315 = arith.constant 1 : i32
      %parallel_loop3A_316 = arith.constant 2 : i32
      %parallel_loop3A_317 = arith.constant 2 : i32
      scf.for %parallel_loop3A_318 = %parallel_loop3A_313 to %parallel_loop3A_314 step %parallel_loop3A_315  : i32 {
        %parallel_loop3A_319 = arith.constant 0 : i32
        %parallel_loop3A_320 = arith.constant 0 : i32
        %parallel_loop3A_321 = tpu.memref_slice %arg8[%parallel_loop3A_316, %parallel_loop3A_319, %parallel_loop3A_320] : memref<3x128x64xi32, #tpu.memory_space<vmem>> -> memref<1x128x64xi32, #tpu.memory_space<vmem>>
        %parallel_loop3A_322 = tpu.memref_squeeze %parallel_loop3A_321 : memref<1x128x64xi32, #tpu.memory_space<vmem>> -> memref<128x64xi32, #tpu.memory_space<vmem>>
        %parallel_loop3A_323 = arith.index_cast %parallel_loop3A_318 : i32 to index
        %parallel_loop3A_324 = arith.constant 0 : index
        %parallel_loop3A_325 = tpu.vector_load %parallel_loop3A_322[%parallel_loop3A_323, %parallel_loop3A_324] {strides = array<i32>} : memref<128x64xi32, #tpu.memory_space<vmem>>, vector<16xi32>,
        %parallel_loop3A_326 = vector.bitcast %parallel_loop3A_325 : vector<16xi32> to vector<32xbf16>
        %parallel_loop3A_327 = arith.constant 0 : i32
        %parallel_loop3A_328 = arith.constant 0 : i32
        %parallel_loop3A_329 = tpu.memref_slice %arg9[%parallel_loop3A_317, %parallel_loop3A_327, %parallel_loop3A_328] : memref<3x128x64xi32, #tpu.memory_space<vmem>> -> memref<1x128x64xi32, #tpu.memory_space<vmem>>
        %parallel_loop3A_330 = tpu.memref_squeeze %parallel_loop3A_329 : memref<1x128x64xi32, #tpu.memory_space<vmem>> -> memref<128x64xi32, #tpu.memory_space<vmem>>
        %parallel_loop3A_331 = arith.index_cast %parallel_loop3A_318 : i32 to index
        %parallel_loop3A_332 = arith.constant 0 : index
        %parallel_loop3A_333 = tpu.vector_load %parallel_loop3A_330[%parallel_loop3A_331, %parallel_loop3A_332] {strides = array<i32>} : memref<128x64xi32, #tpu.memory_space<vmem>>, vector<16xi32>,
        %parallel_loop3A_334 = vector.bitcast %parallel_loop3A_333 : vector<16xi32> to vector<32xbf16>
        %parallel_loop3A_335 = arith.mulf %parallel_loop3A_326, %parallel_loop3A_334 : vector<32xbf16>
        %parallel_loop3A_336 = arith.constant 0 : i32
        %parallel_loop3A_337 = arith.constant 0 : i32
        %parallel_loop3A_338 = tpu.memref_slice %arg8[%parallel_loop3A_316, %parallel_loop3A_336, %parallel_loop3A_337] : memref<3x128x64xi32, #tpu.memory_space<vmem>> -> memref<1x128x64xi32, #tpu.memory_space<vmem>>
        %parallel_loop3A_339 = tpu.memref_squeeze %parallel_loop3A_338 : memref<1x128x64xi32, #tpu.memory_space<vmem>> -> memref<128x64xi32, #tpu.memory_space<vmem>>
        %parallel_loop3A_340 = arith.index_cast %parallel_loop3A_318 : i32 to index
        %parallel_loop3A_341 = arith.constant 16 : index
        %parallel_loop3A_342 = tpu.vector_load %parallel_loop3A_339[%parallel_loop3A_340, %parallel_loop3A_341] {strides = array<i32>} : memref<128x64xi32, #tpu.memory_space<vmem>>, vector<16xi32>,
        %parallel_loop3A_343 = vector.bitcast %parallel_loop3A_342 : vector<16xi32> to vector<32xbf16>
        %parallel_loop3A_344 = arith.constant 0 : i32
        %parallel_loop3A_345 = arith.constant 0 : i32
        %parallel_loop3A_346 = tpu.memref_slice %arg9[%parallel_loop3A_317, %parallel_loop3A_344, %parallel_loop3A_345] : memref<3x128x64xi32, #tpu.memory_space<vmem>> -> memref<1x128x64xi32, #tpu.memory_space<vmem>>
        %parallel_loop3A_347 = tpu.memref_squeeze %parallel_loop3A_346 : memref<1x128x64xi32, #tpu.memory_space<vmem>> -> memref<128x64xi32, #tpu.memory_space<vmem>>
        %parallel_loop3A_348 = arith.index_cast %parallel_loop3A_318 : i32 to index
        %parallel_loop3A_349 = arith.constant 16 : index
        %parallel_loop3A_350 = tpu.vector_load %parallel_loop3A_347[%parallel_loop3A_348, %parallel_loop3A_349] {strides = array<i32>} : memref<128x64xi32, #tpu.memory_space<vmem>>, vector<16xi32>,
        %parallel_loop3A_351 = vector.bitcast %parallel_loop3A_350 : vector<16xi32> to vector<32xbf16>
        %parallel_loop3A_352 = arith.mulf %parallel_loop3A_343, %parallel_loop3A_351 : vector<32xbf16>
        %parallel_loop3A_353 = arith.addf %parallel_loop3A_335, %parallel_loop3A_352 : vector<32xbf16>
        %parallel_loop3A_354 = arith.constant 0 : i32
        %parallel_loop3A_355 = arith.constant 0 : i32
        %parallel_loop3A_356 = tpu.memref_slice %arg8[%parallel_loop3A_316, %parallel_loop3A_354, %parallel_loop3A_355] : memref<3x128x64xi32, #tpu.memory_space<vmem>> -> memref<1x128x64xi32, #tpu.memory_space<vmem>>
        %parallel_loop3A_357 = tpu.memref_squeeze %parallel_loop3A_356 : memref<1x128x64xi32, #tpu.memory_space<vmem>> -> memref<128x64xi32, #tpu.memory_space<vmem>>
        %parallel_loop3A_358 = arith.index_cast %parallel_loop3A_318 : i32 to index
        %parallel_loop3A_359 = arith.constant 32 : index
        %parallel_loop3A_360 = tpu.vector_load %parallel_loop3A_357[%parallel_loop3A_358, %parallel_loop3A_359] {strides = array<i32>} : memref<128x64xi32, #tpu.memory_space<vmem>>, vector<16xi32>,
        %parallel_loop3A_361 = vector.bitcast %parallel_loop3A_360 : vector<16xi32> to vector<32xbf16>
        %parallel_loop3A_362 = arith.constant 0 : i32
        %parallel_loop3A_363 = arith.constant 0 : i32
        %parallel_loop3A_364 = tpu.memref_slice %arg9[%parallel_loop3A_317, %parallel_loop3A_362, %parallel_loop3A_363] : memref<3x128x64xi32, #tpu.memory_space<vmem>> -> memref<1x128x64xi32, #tpu.memory_space<vmem>>
        %parallel_loop3A_365 = tpu.memref_squeeze %parallel_loop3A_364 : memref<1x128x64xi32, #tpu.memory_space<vmem>> -> memref<128x64xi32, #tpu.memory_space<vmem>>
        %parallel_loop3A_366 = arith.index_cast %parallel_loop3A_318 : i32 to index
        %parallel_loop3A_367 = arith.constant 32 : index
        %parallel_loop3A_368 = tpu.vector_load %parallel_loop3A_365[%parallel_loop3A_366, %parallel_loop3A_367] {strides = array<i32>} : memref<128x64xi32, #tpu.memory_space<vmem>>, vector<16xi32>,
        %parallel_loop3A_369 = vector.bitcast %parallel_loop3A_368 : vector<16xi32> to vector<32xbf16>
        %parallel_loop3A_370 = arith.mulf %parallel_loop3A_361, %parallel_loop3A_369 : vector<32xbf16>
        %parallel_loop3A_371 = arith.addf %parallel_loop3A_353, %parallel_loop3A_370 : vector<32xbf16>
        %parallel_loop3A_372 = arith.constant 0 : i32
        %parallel_loop3A_373 = arith.constant 0 : i32
        %parallel_loop3A_374 = tpu.memref_slice %arg8[%parallel_loop3A_316, %parallel_loop3A_372, %parallel_loop3A_373] : memref<3x128x64xi32, #tpu.memory_space<vmem>> -> memref<1x128x64xi32, #tpu.memory_space<vmem>>
        %parallel_loop3A_375 = tpu.memref_squeeze %parallel_loop3A_374 : memref<1x128x64xi32, #tpu.memory_space<vmem>> -> memref<128x64xi32, #tpu.memory_space<vmem>>
        %parallel_loop3A_376 = arith.index_cast %parallel_loop3A_318 : i32 to index
        %parallel_loop3A_377 = arith.constant 48 : index
        %parallel_loop3A_378 = tpu.vector_load %parallel_loop3A_375[%parallel_loop3A_376, %parallel_loop3A_377] {strides = array<i32>} : memref<128x64xi32, #tpu.memory_space<vmem>>, vector<16xi32>,
        %parallel_loop3A_379 = vector.bitcast %parallel_loop3A_378 : vector<16xi32> to vector<32xbf16>
        %parallel_loop3A_380 = arith.constant 0 : i32
        %parallel_loop3A_381 = arith.constant 0 : i32
        %parallel_loop3A_382 = tpu.memref_slice %arg9[%parallel_loop3A_317, %parallel_loop3A_380, %parallel_loop3A_381] : memref<3x128x64xi32, #tpu.memory_space<vmem>> -> memref<1x128x64xi32, #tpu.memory_space<vmem>>
        %parallel_loop3A_383 = tpu.memref_squeeze %parallel_loop3A_382 : memref<1x128x64xi32, #tpu.memory_space<vmem>> -> memref<128x64xi32, #tpu.memory_space<vmem>>
        %parallel_loop3A_384 = arith.index_cast %parallel_loop3A_318 : i32 to index
        %parallel_loop3A_385 = arith.constant 48 : index
        %parallel_loop3A_386 = tpu.vector_load %parallel_loop3A_383[%parallel_loop3A_384, %parallel_loop3A_385] {strides = array<i32>} : memref<128x64xi32, #tpu.memory_space<vmem>>, vector<16xi32>,
        %parallel_loop3A_387 = vector.bitcast %parallel_loop3A_386 : vector<16xi32> to vector<32xbf16>
        %parallel_loop3A_388 = arith.mulf %parallel_loop3A_379, %parallel_loop3A_387 : vector<32xbf16>
        %parallel_loop3A_389 = arith.addf %parallel_loop3A_371, %parallel_loop3A_388 : vector<32xbf16>
        %parallel_loop3A_390 = tpu.unpack_subelements %parallel_loop3A_389, 0 {pack_format = #tpu.pack_format<interleaved>} : vector<32xbf16> -> vector<16xf32>
        %parallel_loop3A_391 = tpu.unpack_subelements %parallel_loop3A_389, 1 {pack_format = #tpu.pack_format<interleaved>} : vector<32xbf16> -> vector<16xf32>
        %parallel_loop3A_392 = arith.addf %parallel_loop3A_390, %parallel_loop3A_391 : vector<16xf32>
        %parallel_loop3A_393 = arith.constant true
        %parallel_loop3A_394 = vector.broadcast %parallel_loop3A_393 : i1 to vector<16xi1>
        %parallel_loop3A_395 = tpu.scan <sum>, %parallel_loop3A_392 masked %parallel_loop3A_394 : vector<16xf32>, vector<16xi1> -> vector<16xf32>
        %parallel_loop3A_396 = arith.constant 128 : i32
        %parallel_loop3A_397 = arith.muli %add3A_277, %parallel_loop3A_396 : i32
        %parallel_loop3A_398 = arith.addi %parallel_loop3A_397, %parallel_loop3A_318 : i32
        %parallel_loop3A_399 = arith.index_cast %parallel_loop3A_398 : i32 to index
        %parallel_loop3A_400 = tpu.vector_load %arg10[%parallel_loop3A_399] masked %eq3A_100 {strides = array<i32>} : memref<10016xf32, #tpu.memory_space<vmem>>, vector<16xf32>, vector<16xi1>
        tpu.vector_store %arg10[%parallel_loop3A_399], %parallel_loop3A_395 masked %eq3A_100 {strides = array<i32>} : memref<10016xf32, #tpu.memory_space<vmem>>, vector<16xf32>, vector<16xi1>
      } {sc.loop_unroll_factor = 1 : i64, sc.parallel_access}
    }
    %scan3A_157 = arith.constant 26 : i32
    %dma_wait3A_158 = arith.constant 0 : i32
    %dma_wait3A_159 = arith.constant 0 : i32
    %dma_wait3A_160 = arith.constant 0 : i32
    %dma_wait3A_161 = arith.constant 0 : i32
    %dma_wait3A_162 = tpu.memref_slice %arg8[%dma_wait3A_158, %dma_wait3A_160, %dma_wait3A_161] : memref<3x128x64xi32, #tpu.memory_space<vmem>> -> memref<1x128x64xi32, #tpu.memory_space<vmem>>
    %dma_wait3A_163 = tpu.memref_squeeze %dma_wait3A_162 : memref<1x128x64xi32, #tpu.memory_space<vmem>> -> memref<128x64xi32, #tpu.memory_space<vmem>>
    %dma_wait3A_164 = arith.constant 9984 : i32
    %dma_wait3A_165 = tpu.memref_slice %arg6[%dma_wait3A_164] : memref<10112xi32, #tpu.memory_space<vmem>> -> memref<128xi32, #tpu.memory_space<vmem>>
    %dma_wait3A_166 = arith.constant 0 : i32
    %dma_wait3A_167 = arith.constant 0 : i32
    %dma_wait3A_168 = tpu.memref_slice %arg5[%dma_wait3A_166, %dma_wait3A_167] : memref<10000x64xi32, #tpu.memory_space<vmem_shared>> -> memref<10000x64xi32, #tpu.memory_space<vmem_shared>>
    %dma_wait3A_169 = tpu.memref_slice %arg11[%dma_wait3A_159] : memref<6x!tpu.dma_semaphore, #tpu.memory_space<semaphore_mem>> -> memref<1x!tpu.dma_semaphore, #tpu.memory_space<semaphore_mem>>
    %dma_wait3A_170 = tpu.memref_squeeze %dma_wait3A_169 : memref<1x!tpu.dma_semaphore, #tpu.memory_space<semaphore_mem>> -> memref<!tpu.dma_semaphore, #tpu.memory_space<semaphore_mem>>
    tpu.wait_indirect_dma semaphore(%dma_wait3A_170 : memref<!tpu.dma_semaphore, #tpu.memory_space<semaphore_mem>>) src(%dma_wait3A_168 : memref<10000x64xi32, #tpu.memory_space<vmem_shared>>) dst(%dma_wait3A_163 : memref<128x64xi32, #tpu.memory_space<vmem>>)
    %dma_wait3A_171 = arith.constant 0 : i32
    %dma_wait3A_172 = arith.constant 1 : i32
    %dma_wait3A_173 = arith.constant 0 : i32
    %dma_wait3A_174 = arith.constant 0 : i32
    %dma_wait3A_175 = tpu.memref_slice %arg9[%dma_wait3A_171, %dma_wait3A_173, %dma_wait3A_174] : memref<3x128x64xi32, #tpu.memory_space<vmem>> -> memref<1x128x64xi32, #tpu.memory_space<vmem>>
    %dma_wait3A_176 = tpu.memref_squeeze %dma_wait3A_175 : memref<1x128x64xi32, #tpu.memory_space<vmem>> -> memref<128x64xi32, #tpu.memory_space<vmem>>
    %dma_wait3A_177 = arith.constant 9984 : i32
    %dma_wait3A_178 = tpu.memref_slice %arg7[%dma_wait3A_177] : memref<10112xi32, #tpu.memory_space<vmem>> -> memref<128xi32, #tpu.memory_space<vmem>>
    %dma_wait3A_179 = arith.constant 0 : i32
    %dma_wait3A_180 = arith.constant 0 : i32
    %dma_wait3A_181 = tpu.memref_slice %arg5[%dma_wait3A_179, %dma_wait3A_180] : memref<10000x64xi32, #tpu.memory_space<vmem_shared>> -> memref<10000x64xi32, #tpu.memory_space<vmem_shared>>
    %dma_wait3A_182 = tpu.memref_slice %arg11[%dma_wait3A_172] : memref<6x!tpu.dma_semaphore, #tpu.memory_space<semaphore_mem>> -> memref<1x!tpu.dma_semaphore, #tpu.memory_space<semaphore_mem>>
    %dma_wait3A_183 = tpu.memref_squeeze %dma_wait3A_182 : memref<1x!tpu.dma_semaphore, #tpu.memory_space<semaphore_mem>> -> memref<!tpu.dma_semaphore, #tpu.memory_space<semaphore_mem>>
    tpu.wait_indirect_dma semaphore(%dma_wait3A_183 : memref<!tpu.dma_semaphore, #tpu.memory_space<semaphore_mem>>) src(%dma_wait3A_181 : memref<10000x64xi32, #tpu.memory_space<vmem_shared>>) dst(%dma_wait3A_176 : memref<128x64xi32, #tpu.memory_space<vmem>>)
    %parallel_loop3A = arith.constant 0 : i32
    %parallel_loop3A_184 = arith.constant 16 : i32
    %parallel_loop3A_185 = arith.constant 1 : i32
    %parallel_loop3A_186 = arith.constant 0 : i32
    %parallel_loop3A_187 = arith.constant 0 : i32
    scf.for %parallel_loop3A_188 = %parallel_loop3A to %parallel_loop3A_184 step %parallel_loop3A_185  : i32 {
      %parallel_loop3A_189 = arith.constant 0 : i32
      %parallel_loop3A_190 = arith.constant 0 : i32
      %parallel_loop3A_191 = tpu.memref_slice %arg8[%parallel_loop3A_186, %parallel_loop3A_189, %parallel_loop3A_190] : memref<3x128x64xi32, #tpu.memory_space<vmem>> -> memref<1x128x64xi32, #tpu.memory_space<vmem>>
      %parallel_loop3A_192 = tpu.memref_squeeze %parallel_loop3A_191 : memref<1x128x64xi32, #tpu.memory_space<vmem>> -> memref<128x64xi32, #tpu.memory_space<vmem>>
      %parallel_loop3A_193 = arith.index_cast %parallel_loop3A_188 : i32 to index
      %parallel_loop3A_194 = arith.constant 0 : index
      %parallel_loop3A_195 = tpu.vector_load %parallel_loop3A_192[%parallel_loop3A_193, %parallel_loop3A_194] {strides = array<i32>} : memref<128x64xi32, #tpu.memory_space<vmem>>, vector<16xi32>,
      %parallel_loop3A_196 = vector.bitcast %parallel_loop3A_195 : vector<16xi32> to vector<32xbf16>
      %parallel_loop3A_197 = arith.constant 0 : i32
      %parallel_loop3A_198 = arith.constant 0 : i32
      %parallel_loop3A_199 = tpu.memref_slice %arg9[%parallel_loop3A_187, %parallel_loop3A_197, %parallel_loop3A_198] : memref<3x128x64xi32, #tpu.memory_space<vmem>> -> memref<1x128x64xi32, #tpu.memory_space<vmem>>
      %parallel_loop3A_200 = tpu.memref_squeeze %parallel_loop3A_199 : memref<1x128x64xi32, #tpu.memory_space<vmem>> -> memref<128x64xi32, #tpu.memory_space<vmem>>
      %parallel_loop3A_201 = arith.index_cast %parallel_loop3A_188 : i32 to index
      %parallel_loop3A_202 = arith.constant 0 : index
      %parallel_loop3A_203 = tpu.vector_load %parallel_loop3A_200[%parallel_loop3A_201, %parallel_loop3A_202] {strides = array<i32>} : memref<128x64xi32, #tpu.memory_space<vmem>>, vector<16xi32>,
      %parallel_loop3A_204 = vector.bitcast %parallel_loop3A_203 : vector<16xi32> to vector<32xbf16>
      %parallel_loop3A_205 = arith.mulf %parallel_loop3A_196, %parallel_loop3A_204 : vector<32xbf16>
      %parallel_loop3A_206 = arith.constant 0 : i32
      %parallel_loop3A_207 = arith.constant 0 : i32
      %parallel_loop3A_208 = tpu.memref_slice %arg8[%parallel_loop3A_186, %parallel_loop3A_206, %parallel_loop3A_207] : memref<3x128x64xi32, #tpu.memory_space<vmem>> -> memref<1x128x64xi32, #tpu.memory_space<vmem>>
      %parallel_loop3A_209 = tpu.memref_squeeze %parallel_loop3A_208 : memref<1x128x64xi32, #tpu.memory_space<vmem>> -> memref<128x64xi32, #tpu.memory_space<vmem>>
      %parallel_loop3A_210 = arith.index_cast %parallel_loop3A_188 : i32 to index
      %parallel_loop3A_211 = arith.constant 16 : index
      %parallel_loop3A_212 = tpu.vector_load %parallel_loop3A_209[%parallel_loop3A_210, %parallel_loop3A_211] {strides = array<i32>} : memref<128x64xi32, #tpu.memory_space<vmem>>, vector<16xi32>,
      %parallel_loop3A_213 = vector.bitcast %parallel_loop3A_212 : vector<16xi32> to vector<32xbf16>
      %parallel_loop3A_214 = arith.constant 0 : i32
      %parallel_loop3A_215 = arith.constant 0 : i32
      %parallel_loop3A_216 = tpu.memref_slice %arg9[%parallel_loop3A_187, %parallel_loop3A_214, %parallel_loop3A_215] : memref<3x128x64xi32, #tpu.memory_space<vmem>> -> memref<1x128x64xi32, #tpu.memory_space<vmem>>
      %parallel_loop3A_217 = tpu.memref_squeeze %parallel_loop3A_216 : memref<1x128x64xi32, #tpu.memory_space<vmem>> -> memref<128x64xi32, #tpu.memory_space<vmem>>
      %parallel_loop3A_218 = arith.index_cast %parallel_loop3A_188 : i32 to index
      %parallel_loop3A_219 = arith.constant 16 : index
      %parallel_loop3A_220 = tpu.vector_load %parallel_loop3A_217[%parallel_loop3A_218, %parallel_loop3A_219] {strides = array<i32>} : memref<128x64xi32, #tpu.memory_space<vmem>>, vector<16xi32>,
      %parallel_loop3A_221 = vector.bitcast %parallel_loop3A_220 : vector<16xi32> to vector<32xbf16>
      %parallel_loop3A_222 = arith.mulf %parallel_loop3A_213, %parallel_loop3A_221 : vector<32xbf16>
      %parallel_loop3A_223 = arith.addf %parallel_loop3A_205, %parallel_loop3A_222 : vector<32xbf16>
      %parallel_loop3A_224 = arith.constant 0 : i32
      %parallel_loop3A_225 = arith.constant 0 : i32
      %parallel_loop3A_226 = tpu.memref_slice %arg8[%parallel_loop3A_186, %parallel_loop3A_224, %parallel_loop3A_225] : memref<3x128x64xi32, #tpu.memory_space<vmem>> -> memref<1x128x64xi32, #tpu.memory_space<vmem>>
      %parallel_loop3A_227 = tpu.memref_squeeze %parallel_loop3A_226 : memref<1x128x64xi32, #tpu.memory_space<vmem>> -> memref<128x64xi32, #tpu.memory_space<vmem>>
      %parallel_loop3A_228 = arith.index_cast %parallel_loop3A_188 : i32 to index
      %parallel_loop3A_229 = arith.constant 32 : index
      %parallel_loop3A_230 = tpu.vector_load %parallel_loop3A_227[%parallel_loop3A_228, %parallel_loop3A_229] {strides = array<i32>} : memref<128x64xi32, #tpu.memory_space<vmem>>, vector<16xi32>,
      %parallel_loop3A_231 = vector.bitcast %parallel_loop3A_230 : vector<16xi32> to vector<32xbf16>
      %parallel_loop3A_232 = arith.constant 0 : i32
      %parallel_loop3A_233 = arith.constant 0 : i32
      %parallel_loop3A_234 = tpu.memref_slice %arg9[%parallel_loop3A_187, %parallel_loop3A_232, %parallel_loop3A_233] : memref<3x128x64xi32, #tpu.memory_space<vmem>> -> memref<1x128x64xi32, #tpu.memory_space<vmem>>
      %parallel_loop3A_235 = tpu.memref_squeeze %parallel_loop3A_234 : memref<1x128x64xi32, #tpu.memory_space<vmem>> -> memref<128x64xi32, #tpu.memory_space<vmem>>
      %parallel_loop3A_236 = arith.index_cast %parallel_loop3A_188 : i32 to index
      %parallel_loop3A_237 = arith.constant 32 : index
      %parallel_loop3A_238 = tpu.vector_load %parallel_loop3A_235[%parallel_loop3A_236, %parallel_loop3A_237] {strides = array<i32>} : memref<128x64xi32, #tpu.memory_space<vmem>>, vector<16xi32>,
      %parallel_loop3A_239 = vector.bitcast %parallel_loop3A_238 : vector<16xi32> to vector<32xbf16>
      %parallel_loop3A_240 = arith.mulf %parallel_loop3A_231, %parallel_loop3A_239 : vector<32xbf16>
      %parallel_loop3A_241 = arith.addf %parallel_loop3A_223, %parallel_loop3A_240 : vector<32xbf16>
      %parallel_loop3A_242 = arith.constant 0 : i32
      %parallel_loop3A_243 = arith.constant 0 : i32
      %parallel_loop3A_244 = tpu.memref_slice %arg8[%parallel_loop3A_186, %parallel_loop3A_242, %parallel_loop3A_243] : memref<3x128x64xi32, #tpu.memory_space<vmem>> -> memref<1x128x64xi32, #tpu.memory_space<vmem>>
      %parallel_loop3A_245 = tpu.memref_squeeze %parallel_loop3A_244 : memref<1x128x64xi32, #tpu.memory_space<vmem>> -> memref<128x64xi32, #tpu.memory_space<vmem>>
      %parallel_loop3A_246 = arith.index_cast %parallel_loop3A_188 : i32 to index
      %parallel_loop3A_247 = arith.constant 48 : index
      %parallel_loop3A_248 = tpu.vector_load %parallel_loop3A_245[%parallel_loop3A_246, %parallel_loop3A_247] {strides = array<i32>} : memref<128x64xi32, #tpu.memory_space<vmem>>, vector<16xi32>,
      %parallel_loop3A_249 = vector.bitcast %parallel_loop3A_248 : vector<16xi32> to vector<32xbf16>
      %parallel_loop3A_250 = arith.constant 0 : i32
      %parallel_loop3A_251 = arith.constant 0 : i32
      %parallel_loop3A_252 = tpu.memref_slice %arg9[%parallel_loop3A_187, %parallel_loop3A_250, %parallel_loop3A_251] : memref<3x128x64xi32, #tpu.memory_space<vmem>> -> memref<1x128x64xi32, #tpu.memory_space<vmem>>
      %parallel_loop3A_253 = tpu.memref_squeeze %parallel_loop3A_252 : memref<1x128x64xi32, #tpu.memory_space<vmem>> -> memref<128x64xi32, #tpu.memory_space<vmem>>
      %parallel_loop3A_254 = arith.index_cast %parallel_loop3A_188 : i32 to index
      %parallel_loop3A_255 = arith.constant 48 : index
      %parallel_loop3A_256 = tpu.vector_load %parallel_loop3A_253[%parallel_loop3A_254, %parallel_loop3A_255] {strides = array<i32>} : memref<128x64xi32, #tpu.memory_space<vmem>>, vector<16xi32>,
      %parallel_loop3A_257 = vector.bitcast %parallel_loop3A_256 : vector<16xi32> to vector<32xbf16>
      %parallel_loop3A_258 = arith.mulf %parallel_loop3A_249, %parallel_loop3A_257 : vector<32xbf16>
      %parallel_loop3A_259 = arith.addf %parallel_loop3A_241, %parallel_loop3A_258 : vector<32xbf16>
      %parallel_loop3A_260 = tpu.unpack_subelements %parallel_loop3A_259, 0 {pack_format = #tpu.pack_format<interleaved>} : vector<32xbf16> -> vector<16xf32>
      %parallel_loop3A_261 = tpu.unpack_subelements %parallel_loop3A_259, 1 {pack_format = #tpu.pack_format<interleaved>} : vector<32xbf16> -> vector<16xf32>
      %parallel_loop3A_262 = arith.addf %parallel_loop3A_260, %parallel_loop3A_261 : vector<16xf32>
      %parallel_loop3A_263 = arith.constant true
      %parallel_loop3A_264 = vector.broadcast %parallel_loop3A_263 : i1 to vector<16xi1>
      %parallel_loop3A_265 = tpu.scan <sum>, %parallel_loop3A_262 masked %parallel_loop3A_264 : vector<16xf32>, vector<16xi1> -> vector<16xf32>
      %parallel_loop3A_266 = arith.constant 9984 : i32
      %parallel_loop3A_267 = arith.addi %parallel_loop3A_266, %parallel_loop3A_188 : i32
      %parallel_loop3A_268 = arith.index_cast %parallel_loop3A_267 : i32 to index
      %parallel_loop3A_269 = tpu.vector_load %arg10[%parallel_loop3A_268] masked %eq3A_100 {strides = array<i32>} : memref<10016xf32, #tpu.memory_space<vmem>>, vector<16xf32>, vector<16xi1>
      tpu.vector_store %arg10[%parallel_loop3A_268], %parallel_loop3A_265 masked %eq3A_100 {strides = array<i32>} : memref<10016xf32, #tpu.memory_space<vmem>>, vector<16xf32>, vector<16xi1>
    } {sc.loop_unroll_factor = 1 : i64, sc.parallel_access}
    "tpu.region"() ({
      %run_scoped3A = tpu.sem_alloc : memref<!tpu.dma_semaphore, #tpu.memory_space<semaphore_mem>>
      %dma_start3A_188 = arith.constant 0 : i32
      %dma_start3A_189 = tpu.memref_slice %arg10[%dma_start3A_188] : memref<10016xf32, #tpu.memory_space<vmem>> -> memref<10000xf32, #tpu.memory_space<vmem>>
      %dma_start3A_190 = tpu.memref_slice %arg4[%mul3A_2] : memref<320000xf32, #tpu.memory_space<hbm>> -> memref<10000xf32, #tpu.memory_space<hbm>>
      %dma_start3A_191 = tpu.memref_slice %arg4[%mul3A_2] : memref<320000xf32, #tpu.memory_space<hbm>> -> memref<10000xf32, #tpu.memory_space<hbm>>
      %dma_start3A_192 = arith.constant 0 : i32
      %dma_start3A_193 = tpu.memref_slice %arg10[%dma_start3A_192] : memref<10016xf32, #tpu.memory_space<vmem>> -> memref<10000xf32, #tpu.memory_space<vmem>>
      tpu.enqueue_dma source(%dma_start3A_193 : memref<10000xf32, #tpu.memory_space<vmem>>) target(%dma_start3A_191 : memref<10000xf32, #tpu.memory_space<hbm>>) target_semaphore(%run_scoped3A : memref<!tpu.dma_semaphore, #tpu.memory_space<semaphore_mem>>)
      %dma_wait3A_194 = arith.constant 0 : i32
      %dma_wait3A_195 = tpu.memref_slice %arg10[%dma_wait3A_194] : memref<10016xf32, #tpu.memory_space<vmem>> -> memref<10000xf32, #tpu.memory_space<vmem>>
      %dma_wait3A_196 = tpu.memref_slice %arg4[%mul3A_2] : memref<320000xf32, #tpu.memory_space<hbm>> -> memref<10000xf32, #tpu.memory_space<hbm>>
      %dma_wait3A_197 = tpu.memref_slice %arg4[%mul3A_2] : memref<320000xf32, #tpu.memory_space<hbm>> -> memref<10000xf32, #tpu.memory_space<hbm>>
      %dma_wait3A_198 = arith.constant 0 : i32
      %dma_wait3A_199 = tpu.memref_slice %arg10[%dma_wait3A_198] : memref<10016xf32, #tpu.memory_space<vmem>> -> memref<10000xf32, #tpu.memory_space<vmem>>
      tpu.wait_dma2 semaphore(%run_scoped3A : memref<!tpu.dma_semaphore, #tpu.memory_space<semaphore_mem>>) src(%dma_wait3A_199 : memref<10000xf32, #tpu.memory_space<vmem>>) dst(%dma_wait3A_197 : memref<10000xf32, #tpu.memory_space<hbm>>)
      tpu.yield
    }) : () -> ()
    return
  }
}

</mosaic_0001>

<sc_bundles>
// kernel: kernel.3.cloned.1.call-start
scs
__scs_entry_jumppad:
0x0: {  	(pc) =	sbr.rel $0x88, $3  }
0x1: {  	(tag) =	ssettag $0x0;
	lr =	simm.s32 $0x1  }
0x2: {  	[smem:$0x3F9F] =	sst lr;
	_ =	strace $0xD0000000  }
0x3: {  	_ = 	snop  }
0x4: {  	_ = 	snop  }
0x5: {  	_ = 	snop  }
0x6: {  	_ = 	snop  }
0x7: {  	_ = 	snop  }
__scs_overlays_trampoline_lowered:
0x8: {  	[smem:$0x3FAE] =	sst s0  }
0x9: {  	[smem:$0x3FAF] =	sst s1  }
0xa: {  	[smem:$0x3FB0] =	sst s2  }
0xb: {  	[smem:$0x3FB1] =	sst s3  }
0xc: {  	[smem:$0x3FB2] =	sst s4  }
0xd: {  	[smem:$0x3FB3] =	sst s5  }
0xe: {  	[smem:$0x3FB4] =	sst s6  }
0xf: {  	[smem:$0x3FB5] =	sst s7  }
0x10: {  	[smem:$0x3FB6] =	sst s8  }
0x11: {  	[smem:$0x3FB7] =	sst s9;
	s0 =	simm.s32 @!p0 $0x0  }
0x12: {  	s1 =	sld [smem:$0x3F9D];
	s0 =	simm.s32 @p0 $0x1  }
0x13: {  	[smem:$0x3FB8] =	sst s0;
	s0 =	simm.s32 @!p1 $0x0  }
0x14: {  	s2 =	sld [smem:$0x3F9C];
	s0 =	simm.s32 @p1 $0x1  }
0x15: {  	[smem:$0x3FB9] =	sst s0;
	s0 =	simm.s32 @!p2 $0x0  }
0x16: {  	s3 =	sld [smem:$0x3FDB];
	s0 =	simm.s32 @p2 $0x1  }
0x17: {  	s4 =	simm.s32 $0x1BF5;
	[smem:$0x3FBB] =	sst s0  }
0x18: {  	s0 =	sld [smem:$0x3F9E];
	_ =	swait.ge [sflag:s4], $0x0  }
0x19: {  	s7 =	sld [smem:$0x3F9F]  }
0x1a: {  	s8 =	sadd.s32 $0xFFFFE003, lr  }
0x1b: {  	s9 =	sadd.s32 $0xFFFFFEF7, lr;
	s5 =	simm.s32 $0xFFFFFFFF;
	p2 =	slt.u32 s8, $0xFFFFF086  }
0x1c: {  	p1 =	slt.u32 s9, $0xF7A;
	s5 =	simm.s32 @!p2 $0x0  }
0x1d: {  	s5 =	simm.s32 @p1 $0x1;
	p0 =	seq.s32 s7, s2  }
0x1e: {  	s7 =	smul.u32 @!p0 $0xF7A, s2;
	p2 =	seq.s32 @!p0 s5, $0x0  }
0x1f: {  	s9 =	smul.u32 $0xF7A, s1;
	s8 =	simm.s32 @!p0 $0x1BF5;
	p2 =	por !p2, p0  }
0x20: {  	[sflag:s8] =	ssyncset.s32 @!p0 $0xFFFFF086;
	s6 =	sadd.s32 @!p0 s3, s7;
	s7 =	simm.s32 @!p0 $0x108  }
0x21: {  	s3 =	sadd.s32 s3, s9;
	s6 =	sadd.s32 @!p0 $0x88, s6;
	s7 =	simm.s32 @p2 $0x1082  }
0x22: {  	[simem:s7], [sflag:s8] =	dma.local @!p0 [hbm:s6], $0xF7A  }
0x23: {  	s9 =	sor.u32 $0xD0000000, s2;
	s6 =	simm.s32 $0x108;
	_ =	swait.ge @!p0 [sflag:s8], $0x0  }
0x24: {  	s3 =	sadd.s32 $0x88, s3;
	s6 =	simm.s32 @!p1 $0x1082;
	[sflag:s4] =	ssyncset.s32 $0xFFFFF086  }
0x25: {  	[simem:s6], [sflag:s4] =	dma.local [hbm:s3], $0xF7A  }
0x26: {  	[smem:$0x3F9F] =	sst s1;
	(tag) =	ssettag s2;
	_ =	strace s9  }
0x27: {  	s1 =	sld [smem:$0x3FAF]  }
0x28: {  	s2 =	sld [smem:$0x3FB0]  }
0x29: {  	s4 =	sld [smem:$0x3FB2]  }
0x2a: {  	p0 =	seq.s32 s5, $0x0;
	s5 =	sld [smem:$0x3FB3]  }
0x2b: {  	s6 =	sld [smem:$0x3FB4]  }
0x2c: {  	s7 =	sld [smem:$0x3FB5]  }
0x2d: {  	s3 =	simm.s32 $0x108;
	s8 =	sld [smem:$0x3FB6]  }
0x2e: {  	s3 =	simm.s32 @!p0 $0x1082;
	s9 =	sld [smem:$0x3FB7]  }
0x2f: {  	lr =	sadd.s32 s0, s3;
	s0 =	sld [smem:$0x3FAE]  }
0x30: {  	s3 =	sld [smem:$0x3FB1]  }
0x31: {  	[smem:$0x3FBA] =	sst s10  }
0x32: {  	s10 =	sld [smem:$0x3FB8];
	_ =	sdelay $0x3  }
0x33: {  	p0 =	seq.s32 s10, $0x1;
	s10 =	sld [smem:$0x3FBA];
	_ =	sdelay $0x3  }
0x34: {  	[smem:$0x3FBA] =	sst s10  }
0x35: {  	s10 =	sld [smem:$0x3FB9];
	_ =	sdelay $0x3  }
0x36: {  	p1 =	seq.s32 s10, $0x1;
	s10 =	sld [smem:$0x3FBA];
	_ =	sdelay $0x3  }
0x37: {  	[smem:$0x3FBA] =	sst s10  }
0x38: {  	s10 =	sld [smem:$0x3FBB]  }
0x39: {  	_ = 	snop;
	(pc) =	sbr.ind lr, $3  }
0x3a: {  	_ = 	snop  }
0x3b: {  	_ = 	snop  }
0x3c: {  	p2 =	seq.s32 s10, $0x1;
	s10 =	sld [smem:$0x3FBA]  }
0x3d: {  	_ =	shalt  }
0x3e: {  	_ =	shalt  }
0x3f: {  	_ =	shalt  }
0x40: {  	_ =	shalt  }
0x41: {  	_ =	shalt  }
0x42: {  	_ =	shalt  }
0x43: {  	_ =	shalt  }
0x44: {  	_ =	shalt  }
0x45: {  	_ =	shalt  }
0x46: {  	_ =	shalt  }
0x47: {  	_ =	shalt  }
0x48: {  	_ =	shalt  }
0x49: {  	_ =	shalt  }
0x4a: {  	_ =	shalt  }
0x4b: {  	_ =	shalt  }
0x4c: {  	_ =	shalt  }
0x4d: {  	_ =	shalt  }
0x4e: {  	_ =	shalt  }
0x4f: {  	_ =	shalt  }
0x50: {  	_ =	shalt  }
0x51: {  	_ =	shalt  }
0x52: {  	_ =	shalt  }
0x53: {  	_ =	shalt  }
0x54: {  	_ =	shalt  }
0x55: {  	_ =	shalt  }
0x56: {  	_ =	shalt  }
0x57: {  	_ =	shalt  }
0x58: {  	_ =	shalt  }
0x59: {  	_ =	shalt  }
0x5a: {  	_ =	shalt  }
0x5b: {  	_ =	shalt  }
0x5c: {  	_ =	shalt  }
0x5d: {  	_ =	shalt  }
0x5e: {  	_ =	shalt  }
0x5f: {  	_ =	shalt  }
0x60: {  	_ =	shalt  }
0x61: {  	_ =	shalt  }
0x62: {  	_ =	shalt  }
0x63: {  	_ =	shalt  }
0x64: {  	_ =	shalt  }
0x65: {  	_ =	shalt  }
0x66: {  	_ =	shalt  }
0x67: {  	_ =	shalt  }
0x68: {  	_ =	shalt  }
0x69: {  	_ =	shalt  }
0x6a: {  	_ =	shalt  }
0x6b: {  	_ =	shalt  }
0x6c: {  	_ =	shalt  }
0x6d: {  	_ =	shalt  }
0x6e: {  	_ =	shalt  }
0x6f: {  	_ =	shalt  }
0x70: {  	_ =	shalt  }
0x71: {  	_ =	shalt  }
0x72: {  	_ =	shalt  }
0x73: {  	_ =	shalt  }
0x74: {  	_ =	shalt  }
0x75: {  	_ =	shalt  }
0x76: {  	_ =	shalt  }
0x77: {  	_ =	shalt  }
0x78: {  	_ =	shalt  }
0x79: {  	_ =	shalt  }
0x7a: {  	_ =	shalt  }
0x7b: {  	_ =	shalt  }
0x7c: {  	_ =	shalt  }
0x7d: {  	_ =	shalt  }
0x7e: {  	_ =	shalt  }
0x7f: {  	_ =	shalt  }
0x80: {  	_ =	shalt  }
0x81: {  	_ =	shalt  }
0x82: {  	_ =	shalt  }
0x83: {  	_ =	shalt  }
0x84: {  	_ =	shalt  }
0x85: {  	_ =	shalt  }
0x86: {  	_ =	shalt  }
0x87: {  	_ =	shalt  }
.Lfunc_end0:
.L_simem_size_0:
called_computation_lowered:
.L_overlay_start_0:
0x88: {  	s2 =	sld [smem:$0x3FD9]  }
0x89: {  	s3 =	sld [smem:$0x3FFE];
	_ =	sdelay $0x1  }
0x8a: {  	s1 =	srdreg.scid  }
0x8b: {  	s0 =	sand.u32 $0x1, s1  }
0x8c: {  	s17 =	sshll.u32 s0, $0xA;
	s2 =	sadd.s32 s3, s2  }
0x8d: {  	s2 =	sadd.s32 s2, s17  }
0x8e: {  	[smem:$0x3FC6] =	sst s2  }
0x8f: {  	_ = 	snop  }
0x90: {  	s2 =	sld [smem:$0x3FD0];
	(tm) =	ssettm $0x1  }
0x91: {  	s18 =	sld [smem:$0x3FFB];
	_ =	sdelay $0x3  }
0x92: {  	_ =	strace s18  }
0x93: {  	s3 =	sld [smem:$0x3FFC];
	_ =	sdelay $0x3  }
0x94: {  	_ =	strace s3  }
0x95: {  	s3 =	sld [smem:$0x3FFD];
	_ =	sdelay $0x3  }
0x96: {  	_ =	strace s3  }
0x97: {  	_ =	strace $0x8FFFFFFF  }
0x98: {  	s19 =	sld [smem:$0x3FDB];
	_ =	sdelay $0x1  }
0x99: {  	s4 =	simm.s32 $_scs_section_size  }
0x9a: {  	s5 =	simm.s32 $_size__tile_overlayer_lowered;
	s6 =	simm.s32 $_tile_overlayer_lowered  }
0x9b: {  	s22 =	simm.s32 $0x1BFF;
	s21 =	sshll.u32 s6, $0x1;
	s3 =	sadd.s32 s4, s19  }
0x9c: {  	s7 =	simm.s32 $0x0;
	s20 =	sshll.u32 s5, $0x1;
	s5 =	sadd.s32 s21, s3  }
0x9d: {  	[timem:s7], [sflag:s22] =	dma.local [hbm:s5], s20  }
0x9e: {  	_ =	swait.ge [sflag:s22], s20  }
0x9f: {  	s4 =	ssub.s32 $0x0, s20;
	[sflag:s22] =	ssyncset.done $0x0  }
0xa0: {  	[sflag:s22] =	ssyncadd.s32 s4;
	_ =	sdelay $0x1  }
0xa1: {  	s23 =	simm.s32 $0x1B8B  }
0xa2: {  	_ =	swait.ge [sflag:s23], $0x1  }
0xa3: {  	[sflag:s23] =	ssyncset.done $0x0  }
0xa4: {  	s25 =	simm.s32 $0x1B8E;
	s24 =	sld [smem:$0x3FFE];
	[sflag:s23] =	ssyncadd.s32 $0xFFFFFFFF  }
0xa5: {  	s26 =	simm.s32 $execute0_lowered;
	[smem:$0x3FD2] =	sst s25  }
0xa6: {  	s5 =	sshll.u32 s26, $0x1;
	_ =	strace $0x80000046;
	[dreg:$0x1] =	wrdreg $0xFFFFFFFF  }
0xa7: {  	s28 =	simm.s32 $_size_execute0_lowered;
	s3 =	sadd.s32 s3, s5;
	[dreg:$0x0] =	wrdreg $0x0  }
0xa8: {  	s5 =	sshll.u32 s28, $0x1;
	[dreg:$0x2] =	wrdreg s3  }
0xa9: {  	[dreg:$0x3] =	wrdreg s5  }
0xaa: {  	[dreg:$0x4] =	wrdreg $0xC0  }
0xab: {  	_ =	task [dreg:s7], $0x5FFFF  }
0xac: {  	[dreg:$0x1] =	wrdreg $0xFFFFFFFF  }
0xad: {  	[dreg:$0x0] =	wrdreg $0x60  }
0xae: {  	[dreg:$0x2] =	wrdreg s24  }
0xaf: {  	[dreg:$0x3] =	wrdreg s2  }
0xb0: {  	[dreg:$0x4] =	wrdreg $0x0  }
0xb1: {  	[dreg:$0x5] =	wrdreg $0x9  }
0xb2: {  	_ =	task.clear_ibuf [dreg:s7], $0x6FFFF;
	_ =	strace $0x90000046  }
0xb3: {  	s29 =	simm.s32 $0x9;
	_ =	strace $0x80000048  }
0xb4: {  	_ =	swait.ge [sflag:s29], $0x1  }
0xb5: {  	[sflag:s29] =	ssyncadd.s32 $0xFFFFFFFF  }
0xb6: {  	_ =	strace $0x90000048  }
0xb7: {  	_ =	sfence  }
0xb8: {  	s30 =	sld [smem:$0x0];
	_ =	sdelay $0x2  }
0xb9: {  	s31 =	sshll.u32 s1, $0xD;
	s1 =	sshrl.u32 s1, $0x2  }
0xba: {  	s3 =	sand.u32 $0x4000, s31;
	s1 =	sadd.s32 s1, s30  }
0xbb: {  	s0 =	sor.u32 s3, s0;
	s1 =	sshll.u32 s1, $0x11  }
0xbc: {  	s0 =	sor.u32 s1, s0  }
0xbd: {  	s0 =	sadd.s32 $0x8F2B, s0  }
0xbe: {  	[sflag:s0] =	ssyncadd.remote.s32 $0x1  }
0xbf: {  	_ =	sfence.sel $0xFFFF  }
0xc0: {  	[dreg:$0x0] =	wrdreg $0xFFFFFFFF;
	(pc) =	sbr.abs _section_cstart, $3  }
0xc1: {  	[dreg:$0x1] =	wrdreg $0xFFFFFFFF  }
0xc2: {  	_ =	task.clear_ibuf [dreg:s7], $0x2FFFF;
	_ =	strace $0x9FFFFFFF  }
0xc3: {  	(tm) =	ssettm $0x7FFFFFFF  }
tec
execute0_lowered:
.L_overlay_start_1:
0x0: {  	(tag) =	ssettag $0x1  }
0x1: {  	s0 =	rddreg [dreg:$0x0]  }
0x2: {  	s1 =	rddreg [dreg:$0x1]  }
0x3: {  	s2 =	rddreg [dreg:$0x2];
	s11 =	stileid.u32  }
0x4: {  	s3 =	srdreg.scid;
	s12 =	simm.s32 $0xC3C0;
	s13 =	simm.s32 $0x6  }
0x5: {  	s14 =	simm.s32 $0x5;
	s15 =	simm.s32 $0x80;
	s16 =	simm.s32 $0xEB40  }
0x6: {  	s17 =	simm.s32 $0x14B40;
	s22 =	simm.s32 $0x12B40;
	s23 =	simm.s32 $0x18B40  }
0x7: {  	s24 =	simm.s32 $0x1;
	s28 =	simm.s32 $0x4;
	s30 =	simm.s32 $0x7  }
0x8: {  	s31 =	simm.s32 $0x0;
	s4 =	sand.u32 $0x1, s3;
	s5 =	sshll.u32 s11, $0x1  }
0x9: {  	s3 =	simm.s32 $0x0;
	s6 =	smul.u32 $0x9C40, s11;
	s29 =	sshll.u32 s11, $0x6  }
0xa: {  	s5 =	sor.u32 s4, s5;
	[smem:$0x7FF] =	sst s3;
	s4 =	ssub.s32 $0x2, s4  }
0xb: {  	s5 =	smul.u32 $0x2710, s5;
	_ =	strace $0x80000047;
	s7 =	sshrl.u32 s6, $0x3  }
0xc: {  	s26 =	sshrl.u32 s4, $0x1;
	s10 =	sadd.s32 s6, s2;
	s25 =	sadd.s32 s7, s0  }
0xd: {  	s9 =	ssub.s32 s4, s26;
	s10 =	sshrl.u32 s10, $0x3;
	s26 =	simm.s32 $0x3  }
0xe: {  	s8 =	sshrl.u32 s5, $0x3;
	s4 =	sadd.s32 $0x600, s25;
	s5 =	sor.u32 $0x1C05, s29  }
0xf: {  	s9 =	smax.u32 s9, $0x1;
	s25 =	simm.s32 $0x2;
	s0 =	sadd.s32 s8, s0  }
0x10: {  	v0 =	vimm.s32 $0x0;
	vm0 =	vcmask $0x3F3C;
	s8 =	sadd.s32 s1, s8;
	s6 =	sadd.s32 $0x14000, s0;
	s7 =	sadd.s32 $0x1DC40, s0  }
.LBB2_1:
0x11: {  	[spmem:s10], [sflag:s5] =	dma.local [hbm:s4], $0x1388  }
0x12: {  	s0 =	simm.s32 $0x9C40  }
0x13: {  	[tilespmem:s0], [sflag:$0x6] =	stream.linear.gather [hbm4b:s6+s3], $0x2710, $0x38;
	[tilespmem:$0x1D260] =	vst v63  }
0x14: {  	_ = 	snop  }
0x15: {  	[tilespmem:s12], [sflag:$0x6] =	stream.linear.gather [hbm4b:s7+s3], $0x2710, $0x38;
	[tilespmem:$0x1D260] =	vst v63  }
0x16: {  	[tilespmem:$0xC350] =	vst v0  }
0x17: {  	[tilespmem:$0xEAD0] =	vst v0  }
0x18: {  	[tilespmem:$0xC360] =	vst v0  }
0x19: {  	[tilespmem:$0xEAE0] =	vst v0  }
0x1a: {  	[tilespmem:$0xC370] =	vst v0  }
0x1b: {  	[tilespmem:$0xEAF0] =	vst v0  }
0x1c: {  	[tilespmem:$0xC380] =	vst v0  }
0x1d: {  	[tilespmem:$0xEB00] =	vst v0  }
0x1e: {  	[tilespmem:$0xC390] =	vst v0  }
0x1f: {  	[tilespmem:$0xEB10] =	vst v0  }
0x20: {  	[tilespmem:$0xC3A0] =	vst v0  }
0x21: {  	[tilespmem:$0xEB20] =	vst v0  }
0x22: {  	[tilespmem:$0xC3B0] =	vst v0  }
0x23: {  	[tilespmem:$0xEB30] =	vst v0  }
0x24: {  	_ =	swait.ge [sflag:s13], $0x2710  }
0x25: {  	[sflag:s13] =	ssyncset.done $0x0  }
0x26: {  	[sflag:s13] =	ssyncadd.s32 $0xFFFFD8F0  }
0x27: {  	_ =	swait.ge [sflag:s13], $0x2710  }
0x28: {  	[sflag:s13] =	ssyncset.done $0x0  }
0x29: {  	[sflag:s13] =	ssyncadd.s32 $0xFFFFD8F0  }
0x2a: {  	_ =	swait.ge [sflag:s14], $0x1388  }
0x2b: {  	[sflag:s14] =	ssyncset.done $0x0  }
0x2c: {  	[sflag:s14] =	ssyncadd.s32 $0xFFFFEC78  }
0x2d: {  	[bflag:$0x0] =	sbarrier.arrive $0xFFFF  }
0x2e: {  	[tilespmem:s16], [sflag:$0x1] =	stream.indirect.gather [spmem:s2], $0x40, s0, s15, $0xb8;
	[tilespmem:$0x1D260] =	vst v63  }
0x2f: {  	s20 =	simm.s32 $0x9CC0;
	s1 =	simm.s32 $0x10B40  }
0x30: {  	[tilespmem:s17], [sflag:$0x2] =	stream.indirect.gather [spmem:s2], $0x40, s12, s15, $0xb8;
	[tilespmem:$0x1D260] =	vst v63  }
0x31: {  	s21 =	simm.s32 $0xC440;
	s29 =	simm.s32 $0x16B40;
	s18 =	simm.s32 $0x1AB40  }
0x32: {  	[tilespmem:s1], [sflag:$0x3] =	stream.indirect.gather [spmem:s2], $0x40, s20, s15, $0xb8;
	[tilespmem:$0x1D260] =	vst v63  }
0x33: {  	s19 =	simm.s32 $0x0;
	s0 =	simm.s32 $0x1ABC0;
	s1 =	simm.s32 $0x1AC40  }
0x34: {  	[tilespmem:s29], [sflag:$0x4] =	stream.indirect.gather [spmem:s2], $0x40, s21, s15, $0xb8;
	[tilespmem:$0x1D260] =	vst v63  }
.LBB2_2:
0x35: {  	s20 =	smul.u32 $0x180, s19;
	_ =	sdelay $0x1  }
0x36: {  	s11 =	sadd.s32 $0x9D40, s20  }
0x37: {  	[tilespmem:s22], [sflag:$0x5] =	stream.indirect.gather [spmem:s2], $0x40, s11, s15, $0xb8;
	[tilespmem:$0x1D260] =	vst v63  }
0x38: {  	s21 =	sadd.s32 $0xC4C0, s20  }
0x39: {  	[tilespmem:s23], [sflag:$0x6] =	stream.indirect.gather [spmem:s2], $0x40, s21, s15, $0xb8;
	[tilespmem:$0x1D260] =	vst v63  }
0x3a: {  	_ =	swait.ge [sflag:s24], $0x2000  }
0x3b: {  	[sflag:s24] =	ssyncset.done $0x0  }
0x3c: {  	[sflag:s24] =	ssyncadd.s32 $0xFFFFE000  }
0x3d: {  	_ =	swait.ge [sflag:s25], $0x2000  }
0x3e: {  	[sflag:s25] =	ssyncset.done $0x0  }
0x3f: {  	s11 =	simm.s32 $0x0;
	[sflag:s25] =	ssyncadd.s32 $0xFFFFE000  }
0x40: {  	v1 =	vld [tilespmem:s11+$0xEB40]  }
0x41: {  	v2 =	vld [tilespmem:s11+$0x14B40]  }
0x42: {  	v3 =	vld [tilespmem:s11+$0xEB50]  }
0x43: {  	v4 =	vld [tilespmem:s11+$0x14B50]  }
0x44: {  	v5 =	vld [tilespmem:s11+$0xEB60]  }
0x45: {  	v6 =	vld [tilespmem:s11+$0x14B60]  }
0x46: {  	v7 =	vld [tilespmem:s11+$0xEB70]  }
0x47: {  	s21 =	simm.s32 $0x40;
	v8 =	vld [tilespmem:s11+$0x14B70]  }
0x48: {  	v9 =	vld [tilespmem:s21+$0xEB40]  }
0x49: {  	v10 =	vld [tilespmem:s21+$0x14B40]  }
0x4a: {  	v11 =	vld [tilespmem:s21+$0xEB50]  }
0x4b: {  	v12 =	vld [tilespmem:s21+$0x14B50];
	s11 =	simm.s32 $0x80  }
0x4c: {  	v13 =	vld [tilespmem:s11+$0x14B50]  }
0x4d: {  	v1 =	vmul.bf16 v2, v1;
	v2 =	vmul.bf16 v4, v3;
	v3 =	vld [tilespmem:s21+$0xEB60]  }
0x4e: {  	v4 =	vld [tilespmem:s21+$0x14B60]  }
0x4f: {  	v1 =	vadd.bf16 v2, v1;
	v2 =	vmul.bf16 v6, v5;
	v5 =	vld [tilespmem:s21+$0xEB70]  }
0x50: {  	v6 =	vld [tilespmem:s21+$0x14B70]  }
0x51: {  	v1 =	vadd.bf16 v2, v1;
	v2 =	vmul.bf16 v8, v7;
	v7 =	vld [tilespmem:s11+$0xEB40]  }
0x52: {  	v9 =	vmul.bf16 v10, v9;
	v10 =	vmul.bf16 v12, v11;
	v8 =	vld [tilespmem:s11+$0x14B40]  }
0x53: {  	v1 =	vadd.bf16 v2, v1;
	v2 =	vld [tilespmem:s11+$0xEB50]  }
0x54: {  	v15 =	vld [tilespmem:s11+$0xEB60];
	v9 =	vadd.bf16 v10, v9;
	v3 =	vmul.bf16 v4, v3  }
0x55: {  	v63 =	vld [tilespmem:s11+$0x14B60]  }
0x56: {  	v3 =	vadd.bf16 v3, v9  }
0x57: {  	v5 =	vmul.bf16 v6, v5;
	v14 =	vunpack.i.u.bf16.f32 v1;
	v1 =	vunpack.i.l.bf16.f32 v1  }
0x58: {  	v1 =	vadd.f32 v1, v14;
	v7 =	vmul.bf16 v8, v7;
	v2 =	vmul.bf16 v13, v2;
	_ =	sdelay $0x1  }
0x59: {  	v11 =	vld [tilespmem:s11+$0xEB70];
	v3 =	vadd.bf16 v5, v3;
	(xrf2) =	vadd.scan.msk.f32 $0xffff, v1;
	v2 =	vadd.bf16 v2, v7;
	v7 =	vmul.bf16 v63, v15  }
0x5a: {  	s21 =	simm.s32 $0xC0;
	v1 =	vld [tilespmem:s11+$0x14B70]  }
0x5b: {  	v4 =	vld [tilespmem:s21+$0xEB40];
	v2 =	vadd.bf16 v7, v2;
	v7 =	vunpack.i.u.bf16.f32 v3;
	v3 =	vunpack.i.l.bf16.f32 v3  }
0x5c: {  	v6 =	vld [tilespmem:s21+$0xEB50];
	v7 =	vadd.f32 v3, v7  }
0x5d: {  	v9 =	vld [tilespmem:s21+$0x14B50]  }
0x5e: {  	v8 =	vld [tilespmem:s21+$0x14B40];
	(xrf2) =	vadd.scan.msk.f32 $0xffff, v7  }
0x5f: {  	v10 =	vld [tilespmem:s21+$0xEB60];
	v5 =	vmul.bf16 v1, v11  }
0x60: {  	v11 =	vld [tilespmem:s21+$0x14B60]  }
0x61: {  	v1 =	vld [tilespmem:s21+$0xEB70];
	v5 =	vadd.bf16 v5, v2  }
0x62: {  	s29 =	simm.s32 $0x100;
	v9 =	vmul.bf16 v9, v6;
	v2 =	vld [tilespmem:s21+$0x14B70]  }
0x63: {  	v8 =	vmul.bf16 v8, v4;
	v4 =	vld [tilespmem:s29+$0x14B40];
	v7 =	vunpack.i.u.bf16.f32 v5;
	v5 =	vunpack.i.l.bf16.f32 v5;
	v6, _, _ =	vpop (xrf2)  }
0x64: {  	v3 =	vld [tilespmem:s29+$0xEB40];
	[tilespmem:s18+$0x0] =	vst.msk vm0, v6;
	v6 =	vadd.f32 v5, v7  }
0x65: {  	s11 =	simm.s32 $0x500;
	s21 =	smov.u32 s18;
	v5 =	vld [tilespmem:s29+$0xEB50];
	v7 =	vadd.bf16 v9, v8;
	v8 =	vmul.bf16 v11, v10  }
.LBB2_3:
0x66: {  	p0 =	sne.s32 s11, $0x7F00;
	v9 =	vld [tilespmem:s29+$0x14B50];
	(xrf2) =	vadd.scan.msk.f32 $0xffff, v6  }
0x67: {  	v10 =	vld [tilespmem:s29+$0xEB60];
	v6 =	vadd.bf16 v8, v7;
	v2 =	vmul.bf16 v2, v1  }
0x68: {  	s21 =	sadd.s32 $0x1, s21;
	v8 =	vld [tilespmem:s29+$0x14B60];
	v7, _, _ =	vpop (xrf2)  }
.Ltmp0:
0x69: {  	v1 =	vld [tilespmem:s29+$0xEB70];
	v6 =	vadd.bf16 v2, v6;
	[tilespmem:s21+$0x0] =	vst.msk vm0, v7;
	(pc) =	sbr.rel @p0 .LBB2_3-.Ltmp0, $4  }
0x6a: {  	v7 =	vmul.bf16 v4, v3;
	v2 =	vld [tilespmem:s29+$0x14B70];
	s29 =	sshra.s32 s11, $0x2  }
0x6b: {  	v3 =	vld [tilespmem:s29+$0xEB40];
	v9 =	vmul.bf16 v9, v5;
	v5 =	vunpack.i.u.bf16.f32 v6;
	v6 =	vunpack.i.l.bf16.f32 v6  }
0x6c: {  	v4 =	vld [tilespmem:s29+$0x14B40];
	v6 =	vadd.f32 v6, v5  }
0x6d: {  	s11 =	sadd.s32 $0x100, s11;
	v5 =	vld [tilespmem:s29+$0xEB50];
	v7 =	vadd.bf16 v9, v7;
	v8 =	vmul.bf16 v8, v10  }
0x6e: {  	v9 =	vld [tilespmem:s29+$0x14B50]  }
0x6f: {  	v10 =	vld [tilespmem:s29+$0xEB60]  }
0x70: {  	v11 =	vld [tilespmem:s29+$0x14B60]  }
0x71: {  	v12 =	vld [tilespmem:s29+$0xEB70]  }
0x72: {  	v13 =	vld [tilespmem:s29+$0x14B70]  }
0x73: {  	v3 =	vmul.bf16 v4, v3;
	v4 =	vmul.bf16 v9, v5;
	_ =	sdelay $0x1  }
0x74: {  	v3 =	vadd.bf16 v4, v3;
	v4 =	vmul.bf16 v11, v10  }
0x75: {  	v1 =	vmul.bf16 v2, v1;
	v5 =	vadd.bf16 v8, v7  }
0x76: {  	v2 =	vadd.bf16 v4, v3;
	v3 =	vmul.bf16 v13, v12  }
0x77: {  	v1 =	vadd.bf16 v1, v5  }
0x78: {  	v2 =	vadd.bf16 v3, v2  }
0x79: {  	v3 =	vunpack.i.u.bf16.f32 v1;
	v1 =	vunpack.i.l.bf16.f32 v1  }
0x7a: {  	v1 =	vadd.f32 v1, v3;
	v3 =	vunpack.i.u.bf16.f32 v2;
	v2 =	vunpack.i.l.bf16.f32 v2  }
0x7b: {  	(xrf2) =	vadd.scan.msk.f32 $0xffff, v6;
	v2 =	vadd.f32 v2, v3  }
0x7c: {  	(xrf2) =	vadd.scan.msk.f32 $0xffff, v1  }
0x7d: {  	(xrf2) =	vadd.scan.msk.f32 $0xffff, v2;
	_ =	sdelay $0x6  }
0x7e: {  	s11 =	sadd.s32 $0x1, s21;
	v1, _, _ =	vpop (xrf2)  }
0x7f: {  	[tilespmem:s11+$0x0] =	vst.msk vm0, v1;
	s11 =	sadd.s32 $0x1, s11;
	v2, _, _ =	vpop (xrf2)  }
0x80: {  	[tilespmem:s11+$0x0] =	vst.msk vm0, v2;
	s11 =	sadd.s32 $0x1, s11;
	v1, _, _ =	vpop (xrf2)  }
0x81: {  	[tilespmem:s11+$0x0] =	vst.msk vm0, v1;
	s11 =	sadd.s32 $0x1, s11;
	v1, _, _ =	vpop (xrf2)  }
0x82: {  	s21 =	sadd.s32 $0x9DC0, s20;
	[tilespmem:s11+$0x0] =	vst.msk vm0, v1  }
0x83: {  	[tilespmem:s16], [sflag:$0x1] =	stream.indirect.gather [spmem:s2], $0x40, s21, s15, $0xb8;
	[tilespmem:$0x1D260] =	vst v63  }
0x84: {  	s21 =	sadd.s32 $0xC540, s20  }
0x85: {  	[tilespmem:s17], [sflag:$0x2] =	stream.indirect.gather [spmem:s2], $0x40, s21, s15, $0xb8;
	[tilespmem:$0x1D260] =	vst v63  }
0x86: {  	_ =	swait.ge [sflag:s26], $0x2000  }
0x87: {  	[sflag:s26] =	ssyncset.done $0x0  }
0x88: {  	[sflag:s26] =	ssyncadd.s32 $0xFFFFE000  }
0x89: {  	_ =	swait.ge [sflag:s28], $0x2000  }
0x8a: {  	[sflag:s28] =	ssyncset.done $0x0  }
0x8b: {  	s11 =	simm.s32 $0x0;
	[sflag:s28] =	ssyncadd.s32 $0xFFFFE000  }
0x8c: {  	v1 =	vld [tilespmem:s11+$0x10B40]  }
0x8d: {  	v2 =	vld [tilespmem:s11+$0x16B40]  }
0x8e: {  	v3 =	vld [tilespmem:s11+$0x10B50]  }
0x8f: {  	v4 =	vld [tilespmem:s11+$0x16B50]  }
0x90: {  	v5 =	vld [tilespmem:s11+$0x10B60]  }
0x91: {  	v6 =	vld [tilespmem:s11+$0x16B60]  }
0x92: {  	v7 =	vld [tilespmem:s11+$0x10B70]  }
0x93: {  	s21 =	simm.s32 $0x40;
	v8 =	vld [tilespmem:s11+$0x16B70]  }
0x94: {  	v9 =	vld [tilespmem:s21+$0x10B40]  }
0x95: {  	v10 =	vld [tilespmem:s21+$0x16B40]  }
0x96: {  	v11 =	vld [tilespmem:s21+$0x10B50]  }
0x97: {  	v61 =	vld [tilespmem:s21+$0x16B50];
	s11 =	simm.s32 $0x80  }
0x98: {  	v62 =	vld [tilespmem:s11+$0x16B50]  }
0x99: {  	v1 =	vmul.bf16 v2, v1;
	v2 =	vmul.bf16 v4, v3;
	v3 =	vld [tilespmem:s21+$0x10B60]  }
0x9a: {  	v4 =	vld [tilespmem:s21+$0x16B60]  }
0x9b: {  	v1 =	vadd.bf16 v2, v1;
	v2 =	vmul.bf16 v6, v5;
	v5 =	vld [tilespmem:s21+$0x10B70]  }
0x9c: {  	v6 =	vld [tilespmem:s21+$0x16B70]  }
0x9d: {  	v1 =	vadd.bf16 v2, v1;
	v2 =	vmul.bf16 v8, v7;
	v7 =	vld [tilespmem:s11+$0x10B40]  }
0x9e: {  	v9 =	vmul.bf16 v10, v9;
	v10 =	vmul.bf16 v61, v11;
	v8 =	vld [tilespmem:s11+$0x16B40]  }
0x9f: {  	v1 =	vadd.bf16 v2, v1;
	v2 =	vld [tilespmem:s11+$0x10B50]  }
0xa0: {  	v15 =	vld [tilespmem:s11+$0x10B60];
	v9 =	vadd.bf16 v10, v9;
	v3 =	vmul.bf16 v4, v3  }
0xa1: {  	v63 =	vld [tilespmem:s11+$0x16B60]  }
0xa2: {  	v3 =	vadd.bf16 v3, v9  }
0xa3: {  	v5 =	vmul.bf16 v6, v5;
	v14 =	vunpack.i.u.bf16.f32 v1;
	v1 =	vunpack.i.l.bf16.f32 v1  }
0xa4: {  	v1 =	vadd.f32 v1, v14;
	v7 =	vmul.bf16 v8, v7;
	v2 =	vmul.bf16 v62, v2;
	_ =	sdelay $0x1  }
0xa5: {  	v11 =	vld [tilespmem:s11+$0x10B70];
	v3 =	vadd.bf16 v5, v3;
	(xrf2) =	vadd.scan.msk.f32 $0xffff, v1;
	v2 =	vadd.bf16 v2, v7;
	v7 =	vmul.bf16 v63, v15  }
0xa6: {  	s21 =	simm.s32 $0xC0;
	v1 =	vld [tilespmem:s11+$0x16B70]  }
0xa7: {  	v4 =	vld [tilespmem:s21+$0x10B40];
	v2 =	vadd.bf16 v7, v2;
	v7 =	vunpack.i.u.bf16.f32 v3;
	v3 =	vunpack.i.l.bf16.f32 v3  }
0xa8: {  	v6 =	vld [tilespmem:s21+$0x10B50];
	v7 =	vadd.f32 v3, v7  }
0xa9: {  	v9 =	vld [tilespmem:s21+$0x16B50]  }
0xaa: {  	v8 =	vld [tilespmem:s21+$0x16B40];
	(xrf2) =	vadd.scan.msk.f32 $0xffff, v7  }
0xab: {  	v10 =	vld [tilespmem:s21+$0x10B60];
	v5 =	vmul.bf16 v1, v11  }
0xac: {  	v11 =	vld [tilespmem:s21+$0x16B60]  }
0xad: {  	v1 =	vld [tilespmem:s21+$0x10B70];
	v5 =	vadd.bf16 v5, v2  }
0xae: {  	s29 =	simm.s32 $0x100;
	v9 =	vmul.bf16 v9, v6;
	v2 =	vld [tilespmem:s21+$0x16B70]  }
0xaf: {  	v8 =	vmul.bf16 v8, v4;
	v4 =	vld [tilespmem:s29+$0x16B40];
	v7 =	vunpack.i.u.bf16.f32 v5;
	v5 =	vunpack.i.l.bf16.f32 v5;
	v6, _, _ =	vpop (xrf2)  }
0xb0: {  	v3 =	vld [tilespmem:s29+$0x10B40];
	[tilespmem:s0+$0x0] =	vst.msk vm0, v6;
	v6 =	vadd.f32 v5, v7  }
0xb1: {  	s11 =	simm.s32 $0x500;
	s21 =	smov.u32 s0;
	v5 =	vld [tilespmem:s29+$0x10B50];
	v7 =	vadd.bf16 v9, v8;
	v8 =	vmul.bf16 v11, v10  }
.LBB2_5:
0xb2: {  	p0 =	sne.s32 s11, $0x7F00;
	v9 =	vld [tilespmem:s29+$0x16B50];
	(xrf2) =	vadd.scan.msk.f32 $0xffff, v6  }
0xb3: {  	v10 =	vld [tilespmem:s29+$0x10B60];
	v6 =	vadd.bf16 v8, v7;
	v2 =	vmul.bf16 v2, v1  }
0xb4: {  	s21 =	sadd.s32 $0x1, s21;
	v8 =	vld [tilespmem:s29+$0x16B60];
	v7, _, _ =	vpop (xrf2)  }
.Ltmp1:
0xb5: {  	v1 =	vld [tilespmem:s29+$0x10B70];
	v6 =	vadd.bf16 v2, v6;
	[tilespmem:s21+$0x0] =	vst.msk vm0, v7;
	(pc) =	sbr.rel @p0 .LBB2_5-.Ltmp1, $4  }
0xb6: {  	v7 =	vmul.bf16 v4, v3;
	v2 =	vld [tilespmem:s29+$0x16B70];
	s29 =	sshra.s32 s11, $0x2  }
0xb7: {  	v3 =	vld [tilespmem:s29+$0x10B40];
	v9 =	vmul.bf16 v9, v5;
	v5 =	vunpack.i.u.bf16.f32 v6;
	v6 =	vunpack.i.l.bf16.f32 v6  }
0xb8: {  	v4 =	vld [tilespmem:s29+$0x16B40];
	v6 =	vadd.f32 v6, v5  }
0xb9: {  	s11 =	sadd.s32 $0x100, s11;
	v5 =	vld [tilespmem:s29+$0x10B50];
	v7 =	vadd.bf16 v9, v7;
	v8 =	vmul.bf16 v8, v10  }
0xba: {  	v9 =	vld [tilespmem:s29+$0x16B50]  }
0xbb: {  	v10 =	vld [tilespmem:s29+$0x10B60]  }
0xbc: {  	v11 =	vld [tilespmem:s29+$0x16B60]  }
0xbd: {  	v12 =	vld [tilespmem:s29+$0x10B70]  }
0xbe: {  	v13 =	vld [tilespmem:s29+$0x16B70]  }
0xbf: {  	v3 =	vmul.bf16 v4, v3;
	v4 =	vmul.bf16 v9, v5;
	_ =	sdelay $0x1  }
0xc0: {  	v3 =	vadd.bf16 v4, v3;
	v4 =	vmul.bf16 v11, v10  }
0xc1: {  	v1 =	vmul.bf16 v2, v1;
	v5 =	vadd.bf16 v8, v7  }
0xc2: {  	v2 =	vadd.bf16 v4, v3;
	v3 =	vmul.bf16 v13, v12  }
0xc3: {  	v1 =	vadd.bf16 v1, v5  }
0xc4: {  	v2 =	vadd.bf16 v3, v2  }
0xc5: {  	v3 =	vunpack.i.u.bf16.f32 v1;
	v1 =	vunpack.i.l.bf16.f32 v1  }
0xc6: {  	v1 =	vadd.f32 v1, v3;
	v3 =	vunpack.i.u.bf16.f32 v2;
	v2 =	vunpack.i.l.bf16.f32 v2  }
0xc7: {  	(xrf2) =	vadd.scan.msk.f32 $0xffff, v6;
	v2 =	vadd.f32 v2, v3  }
0xc8: {  	(xrf2) =	vadd.scan.msk.f32 $0xffff, v1  }
0xc9: {  	(xrf2) =	vadd.scan.msk.f32 $0xffff, v2;
	_ =	sdelay $0x6  }
0xca: {  	s11 =	sadd.s32 $0x1, s21;
	v1, _, _ =	vpop (xrf2)  }
0xcb: {  	[tilespmem:s11+$0x0] =	vst.msk vm0, v1;
	s11 =	sadd.s32 $0x1, s11;
	v2, _, _ =	vpop (xrf2)  }
0xcc: {  	[tilespmem:s11+$0x0] =	vst.msk vm0, v2;
	s11 =	sadd.s32 $0x1, s11;
	v1, _, _ =	vpop (xrf2)  }
0xcd: {  	p0 =	seq.s32 s19, $0x19;
	[tilespmem:s11+$0x0] =	vst.msk vm0, v1;
	s11 =	sadd.s32 $0x1, s11;
	v1, _, _ =	vpop (xrf2)  }
0xce: {  	s21 =	simm.s32 @!p0 $0x80;
	s29 =	simm.s32 @!p0 $0x10B40;
	[tilespmem:s11+$0x0] =	vst.msk vm0, v1;
	s11 =	sadd.s32 @!p0 $0x9E40, s20  }
0xcf: {  	[tilespmem:s29], [sflag:$0x3] =	stream.indirect.gather @!p0 [spmem:s2], $0x40, s11, s21, $0xb8;
	[tilespmem:$0x1D260] =	vst v63  }
0xd0: {  	s11 =	sadd.s32 @!p0 $0xC5C0, s20;
	s20 =	simm.s32 @!p0 $0x16B40  }
0xd1: {  	[tilespmem:s20], [sflag:$0x4] =	stream.indirect.gather @!p0 [spmem:s2], $0x40, s11, s21, $0xb8;
	[tilespmem:$0x1D260] =	vst v63  }
0xd2: {  	_ =	swait.ge [sflag:s14], $0x2000  }
0xd3: {  	[sflag:s14] =	ssyncset.done $0x0  }
0xd4: {  	[sflag:s14] =	ssyncadd.s32 $0xFFFFE000  }
0xd5: {  	_ =	swait.ge [sflag:s13], $0x2000  }
0xd6: {  	[sflag:s13] =	ssyncset.done $0x0  }
0xd7: {  	s21 =	simm.s32 $0x0;
	[sflag:s13] =	ssyncadd.s32 $0xFFFFE000  }
0xd8: {  	v1 =	vld [tilespmem:s21+$0x12B40]  }
0xd9: {  	v2 =	vld [tilespmem:s21+$0x18B40]  }
0xda: {  	v3 =	vld [tilespmem:s21+$0x12B50]  }
0xdb: {  	v4 =	vld [tilespmem:s21+$0x18B50]  }
0xdc: {  	v5 =	vld [tilespmem:s21+$0x12B60]  }
0xdd: {  	v6 =	vld [tilespmem:s21+$0x18B60]  }
0xde: {  	v7 =	vld [tilespmem:s21+$0x12B70]  }
0xdf: {  	s29 =	simm.s32 $0x40;
	v8 =	vld [tilespmem:s21+$0x18B70]  }
0xe0: {  	v9 =	vld [tilespmem:s29+$0x12B40]  }
0xe1: {  	v10 =	vld [tilespmem:s29+$0x18B40]  }
0xe2: {  	v11 =	vld [tilespmem:s29+$0x12B50]  }
0xe3: {  	v61 =	vld [tilespmem:s29+$0x18B50];
	s21 =	simm.s32 $0x80  }
0xe4: {  	v62 =	vld [tilespmem:s21+$0x18B50]  }
0xe5: {  	v1 =	vmul.bf16 v2, v1;
	v2 =	vmul.bf16 v4, v3;
	v3 =	vld [tilespmem:s29+$0x12B60]  }
0xe6: {  	v4 =	vld [tilespmem:s29+$0x18B60]  }
0xe7: {  	v1 =	vadd.bf16 v2, v1;
	v2 =	vmul.bf16 v6, v5;
	v5 =	vld [tilespmem:s29+$0x12B70]  }
0xe8: {  	v6 =	vld [tilespmem:s29+$0x18B70]  }
0xe9: {  	v1 =	vadd.bf16 v2, v1;
	v2 =	vmul.bf16 v8, v7;
	v7 =	vld [tilespmem:s21+$0x12B40]  }
0xea: {  	v9 =	vmul.bf16 v10, v9;
	v10 =	vmul.bf16 v61, v11;
	v8 =	vld [tilespmem:s21+$0x18B40]  }
0xeb: {  	v1 =	vadd.bf16 v2, v1;
	v2 =	vld [tilespmem:s21+$0x12B50]  }
0xec: {  	v15 =	vld [tilespmem:s21+$0x12B60];
	v9 =	vadd.bf16 v10, v9;
	v3 =	vmul.bf16 v4, v3  }
0xed: {  	v63 =	vld [tilespmem:s21+$0x18B60]  }
0xee: {  	v3 =	vadd.bf16 v3, v9  }
0xef: {  	v5 =	vmul.bf16 v6, v5;
	v14 =	vunpack.i.u.bf16.f32 v1;
	v1 =	vunpack.i.l.bf16.f32 v1  }
0xf0: {  	v1 =	vadd.f32 v1, v14;
	v7 =	vmul.bf16 v8, v7;
	v2 =	vmul.bf16 v62, v2;
	_ =	sdelay $0x1  }
0xf1: {  	v11 =	vld [tilespmem:s21+$0x12B70];
	v3 =	vadd.bf16 v5, v3;
	(xrf2) =	vadd.scan.msk.f32 $0xffff, v1;
	v2 =	vadd.bf16 v2, v7;
	v7 =	vmul.bf16 v63, v15  }
0xf2: {  	s29 =	simm.s32 $0xC0;
	v1 =	vld [tilespmem:s21+$0x18B70]  }
0xf3: {  	v4 =	vld [tilespmem:s29+$0x12B40];
	v2 =	vadd.bf16 v7, v2;
	v7 =	vunpack.i.u.bf16.f32 v3;
	v3 =	vunpack.i.l.bf16.f32 v3  }
0xf4: {  	v6 =	vld [tilespmem:s29+$0x12B50];
	v7 =	vadd.f32 v3, v7  }
0xf5: {  	v9 =	vld [tilespmem:s29+$0x18B50]  }
0xf6: {  	v8 =	vld [tilespmem:s29+$0x18B40];
	(xrf2) =	vadd.scan.msk.f32 $0xffff, v7  }
0xf7: {  	v10 =	vld [tilespmem:s29+$0x12B60];
	v5 =	vmul.bf16 v1, v11  }
0xf8: {  	v11 =	vld [tilespmem:s29+$0x18B60]  }
0xf9: {  	v1 =	vld [tilespmem:s29+$0x12B70];
	v5 =	vadd.bf16 v5, v2  }
0xfa: {  	s21 =	simm.s32 $0x100;
	v9 =	vmul.bf16 v9, v6;
	v2 =	vld [tilespmem:s29+$0x18B70]  }
0xfb: {  	v8 =	vmul.bf16 v8, v4;
	v4 =	vld [tilespmem:s21+$0x18B40];
	v7 =	vunpack.i.u.bf16.f32 v5;
	v5 =	vunpack.i.l.bf16.f32 v5;
	v6, _, _ =	vpop (xrf2)  }
0xfc: {  	v3 =	vld [tilespmem:s21+$0x12B40];
	[tilespmem:s1+$0x0] =	vst.msk vm0, v6;
	v6 =	vadd.f32 v5, v7  }
0xfd: {  	s11 =	simm.s32 $0x500;
	s20 =	smov.u32 s1;
	v5 =	vld [tilespmem:s21+$0x12B50];
	v7 =	vadd.bf16 v9, v8;
	v8 =	vmul.bf16 v11, v10  }
.LBB2_7:
0xfe: {  	p0 =	sne.s32 s11, $0x7F00;
	v9 =	vld [tilespmem:s21+$0x18B50];
	(xrf2) =	vadd.scan.msk.f32 $0xffff, v6  }
0xff: {  	v10 =	vld [tilespmem:s21+$0x12B60];
	v6 =	vadd.bf16 v8, v7;
	v2 =	vmul.bf16 v2, v1  }
0x100: {  	s20 =	sadd.s32 $0x1, s20;
	v8 =	vld [tilespmem:s21+$0x18B60];
	v7, _, _ =	vpop (xrf2)  }
.Ltmp2:
0x101: {  	v1 =	vld [tilespmem:s21+$0x12B70];
	v6 =	vadd.bf16 v2, v6;
	[tilespmem:s20+$0x0] =	vst.msk vm0, v7;
	(pc) =	sbr.rel @p0 .LBB2_7-.Ltmp2, $4  }
0x102: {  	v7 =	vmul.bf16 v4, v3;
	v2 =	vld [tilespmem:s21+$0x18B70];
	s21 =	sshra.s32 s11, $0x2  }
0x103: {  	v3 =	vld [tilespmem:s21+$0x12B40];
	v9 =	vmul.bf16 v9, v5;
	v5 =	vunpack.i.u.bf16.f32 v6;
	v6 =	vunpack.i.l.bf16.f32 v6  }
0x104: {  	v4 =	vld [tilespmem:s21+$0x18B40];
	v6 =	vadd.f32 v6, v5  }
0x105: {  	s11 =	sadd.s32 $0x100, s11;
	v5 =	vld [tilespmem:s21+$0x12B50];
	v7 =	vadd.bf16 v9, v7;
	v8 =	vmul.bf16 v8, v10  }
0x106: {  	v9 =	vld [tilespmem:s21+$0x18B50]  }
0x107: {  	v10 =	vld [tilespmem:s21+$0x12B60]  }
0x108: {  	v11 =	vld [tilespmem:s21+$0x18B60]  }
0x109: {  	v12 =	vld [tilespmem:s21+$0x12B70]  }
0x10a: {  	v13 =	vld [tilespmem:s21+$0x18B70]  }
0x10b: {  	v3 =	vmul.bf16 v4, v3;
	v61 =	vmul.bf16 v9, v5;
	_ =	sdelay $0x1  }
0x10c: {  	v62 =	vmul.bf16 v11, v10;
	v3 =	vadd.bf16 v61, v3  }
0x10d: {  	v63 =	vadd.bf16 v8, v7;
	v1 =	vmul.bf16 v2, v1  }
0x10e: {  	v2 =	vadd.bf16 v62, v3;
	v3 =	vmul.bf16 v13, v12  }
0x10f: {  	v1 =	vadd.bf16 v1, v63  }
0x110: {  	v2 =	vadd.bf16 v3, v2  }
0x111: {  	v3 =	vunpack.i.u.bf16.f32 v1;
	v1 =	vunpack.i.l.bf16.f32 v1  }
0x112: {  	v1 =	vadd.f32 v1, v3;
	v3 =	vunpack.i.u.bf16.f32 v2;
	v2 =	vunpack.i.l.bf16.f32 v2  }
0x113: {  	(xrf2) =	vadd.scan.msk.f32 $0xffff, v6;
	v2 =	vadd.f32 v2, v3  }
0x114: {  	(xrf2) =	vadd.scan.msk.f32 $0xffff, v1  }
0x115: {  	(xrf2) =	vadd.scan.msk.f32 $0xffff, v2;
	_ =	sdelay $0x4  }
0x116: {  	s19 =	sadd.s32 $0x1, s19  }
0x117: {  	p0 =	sne.s32 s19, $0x1A  }
.Ltmp3:
0x118: {  	s11 =	sadd.s32 $0x1, s20;
	v1, _, _ =	vpop (xrf2);
	(pc) =	sbr.rel @p0 .LBB2_2-.Ltmp3, $4  }
0x119: {  	[tilespmem:s11+$0x0] =	vst.msk vm0, v1;
	s11 =	sadd.s32 $0x1, s11;
	v2, _, _ =	vpop (xrf2)  }
0x11a: {  	[tilespmem:s11+$0x0] =	vst.msk vm0, v2;
	s11 =	sadd.s32 $0x1, s11;
	v1, _, _ =	vpop (xrf2)  }
0x11b: {  	[tilespmem:s11+$0x0] =	vst.msk vm0, v1;
	s11 =	sadd.s32 $0x1, s11;
	v1, _, _ =	vpop (xrf2)  }
0x11c: {  	s18 =	sadd.s32 $0x180, s18;
	s0 =	sadd.s32 $0x180, s0;
	s1 =	sadd.s32 $0x180, s1;
	[tilespmem:s11+$0x0] =	vst.msk vm0, v1  }
0x11d: {  	_ =	swait.ge [sflag:s24], $0x2000  }
0x11e: {  	[sflag:s24] =	ssyncset.done $0x0  }
0x11f: {  	[sflag:s24] =	ssyncadd.s32 $0xFFFFE000  }
0x120: {  	_ =	swait.ge [sflag:s25], $0x2000  }
0x121: {  	[sflag:s25] =	ssyncset.done $0x0  }
0x122: {  	s0 =	simm.s32 $0xEB60;
	[sflag:s25] =	ssyncadd.s32 $0xFFFFE000  }
0x123: {  	s1 =	simm.s32 $0x14B60;
	v1 =	vld [tilespmem:s0+$0xFFFFFFE0]  }
0x124: {  	v2 =	vld [tilespmem:s1+$0xFFFFFFE0]  }
0x125: {  	v3 =	vld [tilespmem:s0+$0xFFFFFFF0]  }
0x126: {  	v4 =	vld [tilespmem:s1+$0xFFFFFFF0]  }
0x127: {  	v5 =	vld [tilespmem:s0+$0x0]  }
0x128: {  	v6 =	vld [tilespmem:s1+$0x0]  }
0x129: {  	v7 =	vld [tilespmem:s0+$0x10]  }
0x12a: {  	s18 =	simm.s32 $0xEBA0;
	v8 =	vld [tilespmem:s1+$0x10]  }
0x12b: {  	s19 =	simm.s32 $0x14BA0;
	v9 =	vld [tilespmem:s18+$0xFFFFFFE0]  }
0x12c: {  	v10 =	vld [tilespmem:s19+$0xFFFFFFE0]  }
0x12d: {  	v11 =	vld [tilespmem:s18+$0xFFFFFFF0]  }
0x12e: {  	v12 =	vld [tilespmem:s19+$0xFFFFFFF0];
	v1 =	vmul.bf16 v2, v1;
	v2 =	vmul.bf16 v4, v3;
	_ =	sdelay $0x1  }
0x12f: {  	v13 =	vld [tilespmem:s18+$0x0];
	v1 =	vadd.bf16 v2, v1;
	v2 =	vmul.bf16 v6, v5  }
0x130: {  	v14 =	vld [tilespmem:s19+$0x0]  }
0x131: {  	v15 =	vld [tilespmem:s18+$0x10];
	v1 =	vadd.bf16 v2, v1;
	v2 =	vmul.bf16 v8, v7  }
0x132: {  	v3 =	vld [tilespmem:s19+$0x10];
	v4 =	vmul.bf16 v10, v9;
	v9 =	vmul.bf16 v12, v11  }
0x133: {  	v2 =	vadd.bf16 v2, v1  }
0x134: {  	s20 =	simm.s32 $0xEBE0;
	v4 =	vadd.bf16 v9, v4  }
0x135: {  	s21 =	simm.s32 $0x14BE0;
	v10 =	vld [tilespmem:s20+$0xFFFFFFE0];
	v9 =	vmul.bf16 v14, v13;
	v11 =	vunpack.i.u.bf16.f32 v2;
	v2 =	vunpack.i.l.bf16.f32 v2  }
0x136: {  	v5 =	vld [tilespmem:s21+$0xFFFFFFE0];
	v11 =	vadd.f32 v2, v11  }
0x137: {  	v6 =	vld [tilespmem:s20+$0xFFFFFFF0];
	v4 =	vadd.bf16 v9, v4;
	v3 =	vmul.bf16 v3, v15  }
0x138: {  	v7 =	vld [tilespmem:s21+$0xFFFFFFF0];
	(xrf2) =	vadd.scan.msk.f32 $0xffff, v11  }
0x139: {  	v8 =	vld [tilespmem:s20+$0x0];
	v4 =	vadd.bf16 v3, v4  }
0x13a: {  	v9 =	vld [tilespmem:s21+$0x0]  }
0x13b: {  	v1 =	vld [tilespmem:s20+$0x10];
	v63 =	vunpack.i.u.bf16.f32 v4;
	v4 =	vunpack.i.l.bf16.f32 v4  }
0x13c: {  	s20 =	simm.s32 $0xEC20;
	v3 =	vld [tilespmem:s21+$0x10];
	v12 =	vadd.f32 v4, v63  }
0x13d: {  	v10 =	vmul.bf16 v5, v10;
	v5 =	vld [tilespmem:s20+$0xFFFFFFF0];
	v6 =	vmul.bf16 v7, v6  }
0x13e: {  	s21 =	simm.s32 $0x14C20;
	v2 =	vld [tilespmem:s20+$0xFFFFFFE0];
	(xrf2) =	vadd.scan.msk.f32 $0xffff, v12  }
0x13f: {  	s29 =	simm.s32 $0x4;
	s18 =	simm.s32 $0x0;
	v8 =	vmul.bf16 v9, v8;
	v4 =	vld [tilespmem:s21+$0xFFFFFFE0];
	v7 =	vadd.bf16 v6, v10  }
0x140: {  	s0 =	simm.s32 $0x2;
	s1 =	simm.s32 $0x3;
	s19 =	simm.s32 $0x1;
	v6 =	vld [tilespmem:s21+$0xFFFFFFF0]  }
.LBB2_10:
0x141: {  	p0 =	sne.s32 s29, $0xF;
	v9 =	vld [tilespmem:s20+$0x0];
	v7 =	vadd.bf16 v8, v7;
	v3 =	vmul.bf16 v3, v1;
	s11 =	sand.u32 $0xF, s18;
	s18 =	smov.u32 s19  }
0x142: {  	s19 =	smov.u32 s0;
	s0 =	smov.u32 s1;
	v8 =	vld [tilespmem:s21+$0x0];
	s11 =	sor.u32 $0x1D240, s11;
	v10, _, _ =	vpop (xrf2)  }
0x143: {  	s1 =	smov.u32 s29;
	v1 =	vld [tilespmem:s20+$0x10];
	v7 =	vadd.bf16 v3, v7;
	[tilespmem:s11+$0x0] =	vst.msk vm0, v10  }
.Ltmp4:
0x144: {  	v10 =	vmul.bf16 v4, v2;
	s20 =	sadd.s32 $0x40, s20;
	v3 =	vld [tilespmem:s21+$0x10];
	(pc) =	sbr.rel @p0 .LBB2_10-.Ltmp4, $4  }
0x145: {  	s21 =	sadd.s32 $0x40, s21;
	v2 =	vld [tilespmem:s20+$0xFFFFFFE0];
	v6 =	vmul.bf16 v6, v5;
	v5 =	vunpack.i.u.bf16.f32 v7;
	v7 =	vunpack.i.l.bf16.f32 v7  }
0x146: {  	v4 =	vld [tilespmem:s21+$0xFFFFFFE0];
	v11 =	vadd.f32 v7, v5  }
0x147: {  	v5 =	vld [tilespmem:s20+$0xFFFFFFF0];
	v7 =	vadd.bf16 v6, v10;
	v8 =	vmul.bf16 v8, v9  }
0x148: {  	s29 =	sadd.s32 $0x1, s29;
	v6 =	vld [tilespmem:s21+$0xFFFFFFF0];
	(xrf2) =	vadd.scan.msk.f32 $0xffff, v11  }
0x149: {  	v9 =	vld [tilespmem:s20+$0x0]  }
0x14a: {  	v10 =	vld [tilespmem:s21+$0x0]  }
0x14b: {  	v11 =	vld [tilespmem:s20+$0x10]  }
0x14c: {  	v12 =	vld [tilespmem:s21+$0x10]  }
0x14d: {  	v2 =	vmul.bf16 v4, v2;
	v61 =	vmul.bf16 v6, v5;
	_ =	sdelay $0x1  }
0x14e: {  	v62 =	vmul.bf16 v10, v9;
	v2 =	vadd.bf16 v61, v2  }
0x14f: {  	v63 =	vadd.bf16 v8, v7;
	v1 =	vmul.bf16 v3, v1  }
0x150: {  	v3 =	vmul.bf16 v12, v11;
	v2 =	vadd.bf16 v62, v2  }
0x151: {  	v1 =	vadd.bf16 v1, v63  }
0x152: {  	v2 =	vadd.bf16 v3, v2  }
0x153: {  	v3 =	vunpack.i.u.bf16.f32 v1;
	v1 =	vunpack.i.l.bf16.f32 v1  }
0x154: {  	v1 =	vadd.f32 v1, v3;
	v3 =	vunpack.i.u.bf16.f32 v2;
	v2 =	vunpack.i.l.bf16.f32 v2  }
0x155: {  	v2 =	vadd.f32 v2, v3  }
0x156: {  	(xrf2) =	vadd.scan.msk.f32 $0xffff, v1  }
0x157: {  	(xrf2) =	vadd.scan.msk.f32 $0xffff, v2;
	_ =	sdelay $0x5  }
0x158: {  	s11 =	sand.u32 $0xF, s18  }
0x159: {  	s19 =	sand.u32 $0xF, s19;
	s11 =	sor.u32 $0x1D240, s11;
	v1, _, _ =	vpop (xrf2)  }
0x15a: {  	s0 =	sand.u32 $0xF, s0;
	s20 =	sor.u32 $0x1D240, s19;
	[tilespmem:s11+$0x0] =	vst.msk vm0, v1;
	v2, _, _ =	vpop (xrf2)  }
0x15b: {  	s1 =	sand.u32 $0xF, s1;
	s31 =	sadd.s32 $0x1, s31;
	s0 =	sor.u32 $0x1D240, s0;
	[tilespmem:s20+$0x0] =	vst.msk vm0, v2;
	v1, _, _ =	vpop (xrf2)  }
0x15c: {  	s21 =	sor.u32 $0x1D240, s1;
	p0 =	sne.s32 s31, s9;
	[tilespmem:s0+$0x0] =	vst.msk vm0, v1;
	v1, _, _ =	vpop (xrf2)  }
.Ltmp5:
0x15d: {  	s29 =	simm.s32 $0x1AB40;
	[tilespmem:s21+$0x0] =	vst.msk vm0, v1;
	(pc) =	sbr.rel @p0 .LBB2_1-.Ltmp5, $4  }
0x15e: {  	[hbm4b:s8+s3] =	stream.linear.scatter [tilespmem:s29], [sflag:$0x7], $0x2710, $0x38;
	[tilespmem:$0x1D260] =	vst v63  }
0x15f: {  	_ =	swait.ge [sflag:s30], $0x2710  }
0x160: {  	[sflag:s30] =	ssyncset.done $0x0  }
0x161: {  	[sflag:s30] =	ssyncadd.s32 $0xFFFFD8F0  }
0x162: {  	_ =	sfence.sel $0x180000  }
0x163: {  	[bflag:$0x0] =	sbarrier.arrive $0xFFFF  }
0x164: {  	_ =	strace $0x90000047  }
0x165: {  	s0 =	stileid.u32;
	[bflag:$0x2] =	sbarrier.arrive $0xFFFF  }
0x166: {  	p0 =	sne.s32 s0, $0x0;
	s0 =	rddreg [dreg:$0x3]  }
0x167: {  	s0 =	sadd.s32 @!p0 $0x100000, s0  }
0x168: {  	[sflag:s0] =	ssyncadd.tile.s32 @!p0 $0x1;
	_ =	shalt  }
.Lfunc_end2:
_tile_overlayer_lowered:
.L_overlay_start_2:
0x169: {  	(tag) =	ssettag $0x2  }
0x16a: {  	s0 =	rddreg [dreg:$0x0];
	s2 =	stileid.u32  }
0x16b: {  	s1 =	rddreg [dreg:$0x1];
	p0 =	sne.s32 s2, $0x0  }
0x16c: {  	s3 =	rddreg [dreg:$0x2];
	[bflag:$0x3] =	sbarrier.arrive $0xFFFF;
	s2 =	simm.s32 @!p0 $0x1C07  }
0x16d: {  	[timem:s3], [sflag:s2] =	dma.local @!p0 [hbm:s0], s1  }
0x16e: {  	s0 =	simm.s32 @!p0 $0x7  }
0x16f: {  	_ =	swait.ge @!p0 [sflag:s0], s1  }
0x170: {  	s1 =	ssub.s32 @!p0 $0x0, s1;
	[sflag:s0] =	ssyncset.done @!p0 $0x0  }
0x171: {  	[sflag:s0] =	ssyncadd.s32 @!p0 s1  }
0x172: {  	[bflag:$0x3] =	sbarrier.arrive $0xFFFF  }
0x173: {  	_ =	shalt  }

</sc_bundles>
